<compile_context>
chip_gen: v7x
topology: tpu7x:2x2x1
jax: 0.10.2.dev20260603
libtpu: 0.0.44.dev20260713+nightly
codegen_flags: <defaults>
</compile_context>

<pallas_src>
import functools

import jax
import jax.numpy as jnp
from jax import lax
from jax.experimental import pallas as pl
from jax.experimental.pallas import tpu as pltpu
from jax.experimental.pallas import tpu_sc as plsc

B, S = 16384, 200
V, D = 25006, 100
VPAD = 25600
NC, NS = 2, 16
NW = NC * NS
CPW = B // NW
CH = 128
NCH = CPW // CH
NG = CH // 16


PG = 1
PB = VPAD // PG


def _proj_kernel(t_ref, w_ref, b_ref, o_ref):
    t = t_ref[...]
    w = w_ref[...]
    s = jnp.dot(w, t, preferred_element_type=jnp.float32)
    o_ref[...] = (s.reshape(PB) + b_ref[0, 0]) * (1.0 / S)


def _project_table(table_t, w_row, b):
    return pl.pallas_call(
        _proj_kernel,
        grid=(PG,),
        in_specs=[
            pl.BlockSpec((D, PB), lambda i: (0, i)),
            pl.BlockSpec((1, D), lambda i: (0, 0)),
            pl.BlockSpec((1, 1), lambda i: (0, 0)),
        ],
        out_specs=pl.BlockSpec((PB,), lambda i: (i,)),
        out_shape=jax.ShapeDtypeStruct((VPAD,), jnp.float32),
    )(table_t, w_row, b.reshape(1, 1))


def _sc_body(p_hbm, xt_hbm, out_hbm, p_v, x_v, out_v, sem_p, sem_a, sem_b):
    wid = lax.axis_index("s") * NC + lax.axis_index("c")
    col0 = wid * CPW

    cp_p = pltpu.async_copy(p_hbm, p_v, sem_p)
    sems = (sem_a, sem_b)
    cps = [None, None]
    cps[0] = pltpu.async_copy(xt_hbm.at[:, pl.ds(col0, CH)], x_v.at[0], sem_a)

    for c in range(NCH):
        buf = c & 1
        if c + 1 < NCH:
            nbuf = (c + 1) & 1
            cps[nbuf] = pltpu.async_copy(
                xt_hbm.at[:, pl.ds(col0 + (c + 1) * CH, CH)], x_v.at[nbuf],
                sems[nbuf])
        cps[buf].wait()
        if c == 0:
            cp_p.wait()

        def g_body(g, carry, _buf=buf, _c=c):
            def s_body(s, acc):
                idx = x_v[_buf, s, pl.ds(g * 16, 16)]
                return acc + plsc.load_gather(p_v, [idx])

            acc = lax.fori_loop(0, S, s_body, jnp.zeros((16,), jnp.float32),
                                unroll=10)
            out_v[pl.ds(_c * CH + g * 16, 16)] = acc
            return carry

        lax.fori_loop(0, NG, g_body, 0)

    pltpu.sync_copy(out_v, out_hbm.at[pl.ds(col0, CPW)])


_sc_gather_sum = functools.partial(
    pl.kernel,
    mesh=plsc.VectorSubcoreMesh(core_axis_name="c", subcore_axis_name="s"),
    out_type=jax.ShapeDtypeStruct((B,), jnp.float32),
    compiler_params=pltpu.CompilerParams(needs_layout_passes=False),
    scratch_types=[
        pltpu.VMEM((VPAD,), jnp.float32),
        pltpu.VMEM((2, S, CH), jnp.int32),
        pltpu.VMEM((CPW,), jnp.float32),
        pltpu.SemaphoreType.DMA,
        pltpu.SemaphoreType.DMA,
        pltpu.SemaphoreType.DMA,
    ],
)(_sc_body)


def kernel(x, emb_table, W, b):
    p = _project_table(emb_table.T, W, b)
    out = _sc_gather_sum(p, x.T)
    return out.reshape(B, 1, 1, 1)

# --- scband reference (transcript-rebuilt; emitter-appended) ---
"""Pipeline reference for scband-net-17042430231319 (READ-ONLY COPY).

The authoritative reference and input builder live on the scoring server;
editing this copy changes nothing except your own understanding.
"""

import jax, jax.numpy as jnp
import numpy as np


def setup_inputs(seed: int = 0) -> dict:
    key = jax.random.key(seed)
    k1, k2, k3, k4 = jax.random.split(key, 4)
    B, S = 16384, 200
    V, D = 25006, 100
    x = jax.random.randint(k1, (B, S), 0, V, dtype=jnp.int64 if jax.config.jax_enable_x64 else jnp.int32).astype(jnp.int32)
    emb_table = jax.random.normal(k2, (V, D), dtype=jnp.float32)
    W = jax.random.normal(k3, (1, D), dtype=jnp.float32) * 0.1
    b = jax.random.normal(k4, (1,), dtype=jnp.float32) * 0.1
    return {"x": x, "emb_table": emb_table, "W": W, "b": b}


def reference(x, emb_table, W, b):
    # nn.Embedding lookup: [B, S, D]
    embedded = jnp.take(emb_table, x, axis=0)
    B, S, D = embedded.shape
    # reshape to [B, 1, S, D]
    embedded = embedded.reshape(B, 1, S, D)
    # AvgPool2d((seq_len, 1)): average over the S dimension -> [B, 1, 1, D]
    pooled = jnp.mean(embedded, axis=2, keepdims=True)
    # Linear(100, 1): [B, 1, 1, 1]
    out = pooled @ W.T + b
    return out

if __name__ == "__main__":
    import jax
    _d = setup_inputs()
    print(jax.jit(kernel)(*tuple(_d.values())))

</pallas_src>

<mosaic_0001>
#map = affine_map<(d0, d1) -> (0)>
#map1 = affine_map<(d0, d1) -> (0, 0)>
module attributes {stable_mosaic.version = 14 : i64} {
  func.func @_sc_body(%arg0: i32, %arg1: i32, %arg2: memref<25600xf32, #tpu.memory_space<hbm>>, %arg3: memref<200x16384xi32, #tpu.memory_space<hbm>>, %arg4: memref<16384xf32, #tpu.memory_space<hbm>>, %arg5: memref<25600xf32, #tpu.memory_space<vmem>>, %arg6: memref<2x200x128xi32, #tpu.memory_space<vmem>>, %arg7: memref<512xf32, #tpu.memory_space<vmem>>, %arg8: memref<!tpu.dma_semaphore, #tpu.memory_space<semaphore_mem>>, %arg9: memref<!tpu.dma_semaphore, #tpu.memory_space<semaphore_mem>>, %arg10: memref<!tpu.dma_semaphore, #tpu.memory_space<semaphore_mem>>) attributes {dimension_semantics = [#tpu.dimension_semantics<core_parallel>, #tpu.dimension_semantics<subcore_parallel>], iteration_bounds = array<i64: 2, 16>, scalar_prefetch = 0 : i64, scratch_operands = 6 : i64, tpu.core_type = #tpu.core_type<sc_vector_subcore>, window_params = [{transform_indices = #map}, {transform_indices = #map1}, {transform_indices = #map}]} {
    %mul3A = arith.constant 2 : i32
    %mul3A_0 = arith.muli %arg1, %mul3A : i32
    %add3A = arith.addi %mul3A_0, %arg0 : i32
    %mul3A_1 = arith.constant 512 : i32
    %mul3A_2 = arith.muli %add3A, %mul3A_1 : i32
    tpu.enqueue_dma source(%arg2 : memref<25600xf32, #tpu.memory_space<hbm>>) target(%arg5 : memref<25600xf32, #tpu.memory_space<vmem>>) target_semaphore(%arg8 : memref<!tpu.dma_semaphore, #tpu.memory_space<semaphore_mem>>)
    %dma_start3A = arith.constant 0 : i32
    %dma_start3A_3 = arith.constant 0 : i32
    %dma_start3A_4 = arith.constant 0 : i32
    %dma_start3A_5 = tpu.memref_slice %arg6[%dma_start3A, %dma_start3A_3, %dma_start3A_4] : memref<2x200x128xi32, #tpu.memory_space<vmem>> -> memref<1x200x128xi32, #tpu.memory_space<vmem>>
    %dma_start3A_6 = tpu.memref_squeeze %dma_start3A_5 : memref<1x200x128xi32, #tpu.memory_space<vmem>> -> memref<200x128xi32, #tpu.memory_space<vmem>>
    %dma_start3A_7 = arith.constant 0 : i32
    %dma_start3A_8 = tpu.memref_slice %arg3[%dma_start3A_7, %mul3A_2] : memref<200x16384xi32, #tpu.memory_space<hbm>> -> memref<200x128xi32, #tpu.memory_space<hbm>>
    %dma_start3A_9 = arith.constant 0 : i32
    %dma_start3A_10 = arith.constant 0 : i32
    %dma_start3A_11 = tpu.memref_slice %arg6[%dma_start3A, %dma_start3A_9, %dma_start3A_10] : memref<2x200x128xi32, #tpu.memory_space<vmem>> -> memref<1x200x128xi32, #tpu.memory_space<vmem>>
    %dma_start3A_12 = tpu.memref_squeeze %dma_start3A_11 : memref<1x200x128xi32, #tpu.memory_space<vmem>> -> memref<200x128xi32, #tpu.memory_space<vmem>>
    %dma_start3A_13 = arith.constant 0 : i32
    %dma_start3A_14 = tpu.memref_slice %arg3[%dma_start3A_13, %mul3A_2] : memref<200x16384xi32, #tpu.memory_space<hbm>> -> memref<200x128xi32, #tpu.memory_space<hbm>>
    tpu.enqueue_dma source(%dma_start3A_14 : memref<200x128xi32, #tpu.memory_space<hbm>>) target(%dma_start3A_12 : memref<200x128xi32, #tpu.memory_space<vmem>>) target_semaphore(%arg9 : memref<!tpu.dma_semaphore, #tpu.memory_space<semaphore_mem>>)
    %add3A_15 = arith.constant 128 : i32
    %add3A_16 = arith.addi %mul3A_2, %add3A_15 : i32
    %dma_start3A_17 = arith.constant 1 : i32
    %dma_start3A_18 = arith.constant 0 : i32
    %dma_start3A_19 = arith.constant 0 : i32
    %dma_start3A_20 = tpu.memref_slice %arg6[%dma_start3A_17, %dma_start3A_18, %dma_start3A_19] : memref<2x200x128xi32, #tpu.memory_space<vmem>> -> memref<1x200x128xi32, #tpu.memory_space<vmem>>
    %dma_start3A_21 = tpu.memref_squeeze %dma_start3A_20 : memref<1x200x128xi32, #tpu.memory_space<vmem>> -> memref<200x128xi32, #tpu.memory_space<vmem>>
    %dma_start3A_22 = arith.constant 0 : i32
    %dma_start3A_23 = tpu.memref_slice %arg3[%dma_start3A_22, %add3A_16] : memref<200x16384xi32, #tpu.memory_space<hbm>> -> memref<200x128xi32, #tpu.memory_space<hbm>>
    %dma_start3A_24 = arith.constant 0 : i32
    %dma_start3A_25 = arith.constant 0 : i32
    %dma_start3A_26 = tpu.memref_slice %arg6[%dma_start3A_17, %dma_start3A_24, %dma_start3A_25] : memref<2x200x128xi32, #tpu.memory_space<vmem>> -> memref<1x200x128xi32, #tpu.memory_space<vmem>>
    %dma_start3A_27 = tpu.memref_squeeze %dma_start3A_26 : memref<1x200x128xi32, #tpu.memory_space<vmem>> -> memref<200x128xi32, #tpu.memory_space<vmem>>
    %dma_start3A_28 = arith.constant 0 : i32
    %dma_start3A_29 = tpu.memref_slice %arg3[%dma_start3A_28, %add3A_16] : memref<200x16384xi32, #tpu.memory_space<hbm>> -> memref<200x128xi32, #tpu.memory_space<hbm>>
    tpu.enqueue_dma source(%dma_start3A_29 : memref<200x128xi32, #tpu.memory_space<hbm>>) target(%dma_start3A_27 : memref<200x128xi32, #tpu.memory_space<vmem>>) target_semaphore(%arg10 : memref<!tpu.dma_semaphore, #tpu.memory_space<semaphore_mem>>)
    %dma_wait3A = arith.constant 0 : i32
    %dma_wait3A_30 = arith.constant 0 : i32
    %dma_wait3A_31 = arith.constant 0 : i32
    %dma_wait3A_32 = tpu.memref_slice %arg6[%dma_wait3A, %dma_wait3A_30, %dma_wait3A_31] : memref<2x200x128xi32, #tpu.memory_space<vmem>> -> memref<1x200x128xi32, #tpu.memory_space<vmem>>
    %dma_wait3A_33 = tpu.memref_squeeze %dma_wait3A_32 : memref<1x200x128xi32, #tpu.memory_space<vmem>> -> memref<200x128xi32, #tpu.memory_space<vmem>>
    %dma_wait3A_34 = arith.constant 0 : i32
    %dma_wait3A_35 = tpu.memref_slice %arg3[%dma_wait3A_34, %mul3A_2] : memref<200x16384xi32, #tpu.memory_space<hbm>> -> memref<200x128xi32, #tpu.memory_space<hbm>>
    %dma_wait3A_36 = arith.constant 0 : i32
    %dma_wait3A_37 = arith.constant 0 : i32
    %dma_wait3A_38 = tpu.memref_slice %arg6[%dma_wait3A, %dma_wait3A_36, %dma_wait3A_37] : memref<2x200x128xi32, #tpu.memory_space<vmem>> -> memref<1x200x128xi32, #tpu.memory_space<vmem>>
    %dma_wait3A_39 = tpu.memref_squeeze %dma_wait3A_38 : memref<1x200x128xi32, #tpu.memory_space<vmem>> -> memref<200x128xi32, #tpu.memory_space<vmem>>
    %dma_wait3A_40 = arith.constant 0 : i32
    %dma_wait3A_41 = tpu.memref_slice %arg3[%dma_wait3A_40, %mul3A_2] : memref<200x16384xi32, #tpu.memory_space<hbm>> -> memref<200x128xi32, #tpu.memory_space<hbm>>
    tpu.wait_dma2 semaphore(%arg9 : memref<!tpu.dma_semaphore, #tpu.memory_space<semaphore_mem>>) src(%dma_wait3A_41 : memref<200x128xi32, #tpu.memory_space<hbm>>) dst(%dma_wait3A_39 : memref<200x128xi32, #tpu.memory_space<vmem>>)
    tpu.wait_dma2 semaphore(%arg8 : memref<!tpu.dma_semaphore, #tpu.memory_space<semaphore_mem>>) src(%arg2 : memref<25600xf32, #tpu.memory_space<hbm>>) dst(%arg5 : memref<25600xf32, #tpu.memory_space<vmem>>)
    %scan3A = arith.constant 0 : i32
    %scan3A_42 = arith.constant 0 : i32
    %scan3A_43 = arith.constant 8 : i32
    %scan3A_44 = arith.addi %scan3A_42, %scan3A_43 : i32
    %scan3A_45 = arith.constant 1 : i32
    scf.for %scan3A_134 = %scan3A_42 to %scan3A_44 step %scan3A_45  : i32 {
      %broadcast_in_dim3A = arith.constant 0.000000e+00 : f32
      %broadcast_in_dim3A_135 = vector.broadcast %broadcast_in_dim3A : f32 to vector<16xf32>
      %scan3A_136 = arith.constant 0 : i32
      %scan3A_137 = arith.constant 200 : i32
      %scan3A_138 = arith.addi %scan3A_136, %scan3A_137 : i32
      %scan3A_139 = arith.constant 10 : i32
      %scan3A_140 = scf.for %scan3A_147 = %scan3A_136 to %scan3A_138 step %scan3A_139 iter_args(%scan3A_148 = %broadcast_in_dim3A_135) -> (vector<16xf32>)  : i32 {
        %mul3A_149 = arith.constant 16 : i32
        %mul3A_150 = arith.muli %scan3A_134, %mul3A_149 : i32
        %get3A = arith.constant 0 : i32
        %get3A_151 = arith.index_cast %get3A : i32 to index
        %get3A_152 = arith.index_cast %scan3A_147 : i32 to index
        %get3A_153 = arith.index_cast %mul3A_150 : i32 to index
        %get3A_154 = tpu.vector_load %arg6[%get3A_151, %get3A_152, %get3A_153] {strides = array<i32>} : memref<2x200x128xi32, #tpu.memory_space<vmem>>, vector<16xi32>,
        %gather3A = tpu.vector_load_idx %arg5[%get3A_154] : memref<25600xf32, #tpu.memory_space<vmem>>[vector<16xi32>], vector<16xf32>,
        %add3A_155 = arith.addf %scan3A_148, %gather3A : vector<16xf32>
        %scan3A_156 = arith.constant 1 : i32
        %scan3A_157 = arith.addi %scan3A_147, %scan3A_156 : i32
        %mul3A_158 = arith.constant 16 : i32
        %mul3A_159 = arith.muli %scan3A_134, %mul3A_158 : i32
        %get3A_160 = arith.constant 0 : i32
        %get3A_161 = arith.index_cast %get3A_160 : i32 to index
        %get3A_162 = arith.index_cast %scan3A_157 : i32 to index
        %get3A_163 = arith.index_cast %mul3A_159 : i32 to index
        %get3A_164 = tpu.vector_load %arg6[%get3A_161, %get3A_162, %get3A_163] {strides = array<i32>} : memref<2x200x128xi32, #tpu.memory_space<vmem>>, vector<16xi32>,
        %gather3A_165 = tpu.vector_load_idx %arg5[%get3A_164] : memref<25600xf32, #tpu.memory_space<vmem>>[vector<16xi32>], vector<16xf32>,
        %add3A_166 = arith.addf %add3A_155, %gather3A_165 : vector<16xf32>
        %scan3A_167 = arith.constant 2 : i32
        %scan3A_168 = arith.addi %scan3A_147, %scan3A_167 : i32
        %mul3A_169 = arith.constant 16 : i32
        %mul3A_170 = arith.muli %scan3A_134, %mul3A_169 : i32
        %get3A_171 = arith.constant 0 : i32
        %get3A_172 = arith.index_cast %get3A_171 : i32 to index
        %get3A_173 = arith.index_cast %scan3A_168 : i32 to index
        %get3A_174 = arith.index_cast %mul3A_170 : i32 to index
        %get3A_175 = tpu.vector_load %arg6[%get3A_172, %get3A_173, %get3A_174] {strides = array<i32>} : memref<2x200x128xi32, #tpu.memory_space<vmem>>, vector<16xi32>,
        %gather3A_176 = tpu.vector_load_idx %arg5[%get3A_175] : memref<25600xf32, #tpu.memory_space<vmem>>[vector<16xi32>], vector<16xf32>,
        %add3A_177 = arith.addf %add3A_166, %gather3A_176 : vector<16xf32>
        %scan3A_178 = arith.constant 3 : i32
        %scan3A_179 = arith.addi %scan3A_147, %scan3A_178 : i32
        %mul3A_180 = arith.constant 16 : i32
        %mul3A_181 = arith.muli %scan3A_134, %mul3A_180 : i32
        %get3A_182 = arith.constant 0 : i32
        %get3A_183 = arith.index_cast %get3A_182 : i32 to index
        %get3A_184 = arith.index_cast %scan3A_179 : i32 to index
        %get3A_185 = arith.index_cast %mul3A_181 : i32 to index
        %get3A_186 = tpu.vector_load %arg6[%get3A_183, %get3A_184, %get3A_185] {strides = array<i32>} : memref<2x200x128xi32, #tpu.memory_space<vmem>>, vector<16xi32>,
        %gather3A_187 = tpu.vector_load_idx %arg5[%get3A_186] : memref<25600xf32, #tpu.memory_space<vmem>>[vector<16xi32>], vector<16xf32>,
        %add3A_188 = arith.addf %add3A_177, %gather3A_187 : vector<16xf32>
        %scan3A_189 = arith.constant 4 : i32
        %scan3A_190 = arith.addi %scan3A_147, %scan3A_189 : i32
        %mul3A_191 = arith.constant 16 : i32
        %mul3A_192 = arith.muli %scan3A_134, %mul3A_191 : i32
        %get3A_193 = arith.constant 0 : i32
        %get3A_194 = arith.index_cast %get3A_193 : i32 to index
        %get3A_195 = arith.index_cast %scan3A_190 : i32 to index
        %get3A_196 = arith.index_cast %mul3A_192 : i32 to index
        %get3A_197 = tpu.vector_load %arg6[%get3A_194, %get3A_195, %get3A_196] {strides = array<i32>} : memref<2x200x128xi32, #tpu.memory_space<vmem>>, vector<16xi32>,
        %gather3A_198 = tpu.vector_load_idx %arg5[%get3A_197] : memref<25600xf32, #tpu.memory_space<vmem>>[vector<16xi32>], vector<16xf32>,
        %add3A_199 = arith.addf %add3A_188, %gather3A_198 : vector<16xf32>
        %scan3A_200 = arith.constant 5 : i32
        %scan3A_201 = arith.addi %scan3A_147, %scan3A_200 : i32
        %mul3A_202 = arith.constant 16 : i32
        %mul3A_203 = arith.muli %scan3A_134, %mul3A_202 : i32
        %get3A_204 = arith.constant 0 : i32
        %get3A_205 = arith.index_cast %get3A_204 : i32 to index
        %get3A_206 = arith.index_cast %scan3A_201 : i32 to index
        %get3A_207 = arith.index_cast %mul3A_203 : i32 to index
        %get3A_208 = tpu.vector_load %arg6[%get3A_205, %get3A_206, %get3A_207] {strides = array<i32>} : memref<2x200x128xi32, #tpu.memory_space<vmem>>, vector<16xi32>,
        %gather3A_209 = tpu.vector_load_idx %arg5[%get3A_208] : memref<25600xf32, #tpu.memory_space<vmem>>[vector<16xi32>], vector<16xf32>,
        %add3A_210 = arith.addf %add3A_199, %gather3A_209 : vector<16xf32>
        %scan3A_211 = arith.constant 6 : i32
        %scan3A_212 = arith.addi %scan3A_147, %scan3A_211 : i32
        %mul3A_213 = arith.constant 16 : i32
        %mul3A_214 = arith.muli %scan3A_134, %mul3A_213 : i32
        %get3A_215 = arith.constant 0 : i32
        %get3A_216 = arith.index_cast %get3A_215 : i32 to index
        %get3A_217 = arith.index_cast %scan3A_212 : i32 to index
        %get3A_218 = arith.index_cast %mul3A_214 : i32 to index
        %get3A_219 = tpu.vector_load %arg6[%get3A_216, %get3A_217, %get3A_218] {strides = array<i32>} : memref<2x200x128xi32, #tpu.memory_space<vmem>>, vector<16xi32>,
        %gather3A_220 = tpu.vector_load_idx %arg5[%get3A_219] : memref<25600xf32, #tpu.memory_space<vmem>>[vector<16xi32>], vector<16xf32>,
        %add3A_221 = arith.addf %add3A_210, %gather3A_220 : vector<16xf32>
        %scan3A_222 = arith.constant 7 : i32
        %scan3A_223 = arith.addi %scan3A_147, %scan3A_222 : i32
        %mul3A_224 = arith.constant 16 : i32
        %mul3A_225 = arith.muli %scan3A_134, %mul3A_224 : i32
        %get3A_226 = arith.constant 0 : i32
        %get3A_227 = arith.index_cast %get3A_226 : i32 to index
        %get3A_228 = arith.index_cast %scan3A_223 : i32 to index
        %get3A_229 = arith.index_cast %mul3A_225 : i32 to index
        %get3A_230 = tpu.vector_load %arg6[%get3A_227, %get3A_228, %get3A_229] {strides = array<i32>} : memref<2x200x128xi32, #tpu.memory_space<vmem>>, vector<16xi32>,
        %gather3A_231 = tpu.vector_load_idx %arg5[%get3A_230] : memref<25600xf32, #tpu.memory_space<vmem>>[vector<16xi32>], vector<16xf32>,
        %add3A_232 = arith.addf %add3A_221, %gather3A_231 : vector<16xf32>
        %scan3A_233 = arith.constant 8 : i32
        %scan3A_234 = arith.addi %scan3A_147, %scan3A_233 : i32
        %mul3A_235 = arith.constant 16 : i32
        %mul3A_236 = arith.muli %scan3A_134, %mul3A_235 : i32
        %get3A_237 = arith.constant 0 : i32
        %get3A_238 = arith.index_cast %get3A_237 : i32 to index
        %get3A_239 = arith.index_cast %scan3A_234 : i32 to index
        %get3A_240 = arith.index_cast %mul3A_236 : i32 to index
        %get3A_241 = tpu.vector_load %arg6[%get3A_238, %get3A_239, %get3A_240] {strides = array<i32>} : memref<2x200x128xi32, #tpu.memory_space<vmem>>, vector<16xi32>,
        %gather3A_242 = tpu.vector_load_idx %arg5[%get3A_241] : memref<25600xf32, #tpu.memory_space<vmem>>[vector<16xi32>], vector<16xf32>,
        %add3A_243 = arith.addf %add3A_232, %gather3A_242 : vector<16xf32>
        %scan3A_244 = arith.constant 9 : i32
        %scan3A_245 = arith.addi %scan3A_147, %scan3A_244 : i32
        %mul3A_246 = arith.constant 16 : i32
        %mul3A_247 = arith.muli %scan3A_134, %mul3A_246 : i32
        %get3A_248 = arith.constant 0 : i32
        %get3A_249 = arith.index_cast %get3A_248 : i32 to index
        %get3A_250 = arith.index_cast %scan3A_245 : i32 to index
        %get3A_251 = arith.index_cast %mul3A_247 : i32 to index
        %get3A_252 = tpu.vector_load %arg6[%get3A_249, %get3A_250, %get3A_251] {strides = array<i32>} : memref<2x200x128xi32, #tpu.memory_space<vmem>>, vector<16xi32>,
        %gather3A_253 = tpu.vector_load_idx %arg5[%get3A_252] : memref<25600xf32, #tpu.memory_space<vmem>>[vector<16xi32>], vector<16xf32>,
        %add3A_254 = arith.addf %add3A_243, %gather3A_253 : vector<16xf32>
        scf.yield %add3A_254 : vector<16xf32>
      }
      %scan3A_141 = arith.constant 200 : i32
      %mul3A_142 = arith.constant 16 : i32
      %mul3A_143 = arith.muli %scan3A_134, %mul3A_142 : i32
      %add3A_144 = arith.constant 0 : i32
      %add3A_145 = arith.addi %add3A_144, %mul3A_143 : i32
      %swap3A = arith.index_cast %add3A_145 : i32 to index
      %swap3A_146 = tpu.vector_load %arg7[%swap3A] {strides = array<i32>} : memref<512xf32, #tpu.memory_space<vmem>>, vector<16xf32>,
      tpu.vector_store %arg7[%swap3A], %scan3A_140 {strides = array<i32>} : memref<512xf32, #tpu.memory_space<vmem>>, vector<16xf32>,
    }
    %scan3A_46 = arith.constant 8 : i32
    %add3A_47 = arith.constant 256 : i32
    %add3A_48 = arith.addi %mul3A_2, %add3A_47 : i32
    %dma_start3A_49 = arith.constant 0 : i32
    %dma_start3A_50 = arith.constant 0 : i32
    %dma_start3A_51 = arith.constant 0 : i32
    %dma_start3A_52 = tpu.memref_slice %arg6[%dma_start3A_49, %dma_start3A_50, %dma_start3A_51] : memref<2x200x128xi32, #tpu.memory_space<vmem>> -> memref<1x200x128xi32, #tpu.memory_space<vmem>>
    %dma_start3A_53 = tpu.memref_squeeze %dma_start3A_52 : memref<1x200x128xi32, #tpu.memory_space<vmem>> -> memref<200x128xi32, #tpu.memory_space<vmem>>
    %dma_start3A_54 = arith.constant 0 : i32
    %dma_start3A_55 = tpu.memref_slice %arg3[%dma_start3A_54, %add3A_48] : memref<200x16384xi32, #tpu.memory_space<hbm>> -> memref<200x128xi32, #tpu.memory_space<hbm>>
    %dma_start3A_56 = arith.constant 0 : i32
    %dma_start3A_57 = arith.constant 0 : i32
    %dma_start3A_58 = tpu.memref_slice %arg6[%dma_start3A_49, %dma_start3A_56, %dma_start3A_57] : memref<2x200x128xi32, #tpu.memory_space<vmem>> -> memref<1x200x128xi32, #tpu.memory_space<vmem>>
    %dma_start3A_59 = tpu.memref_squeeze %dma_start3A_58 : memref<1x200x128xi32, #tpu.memory_space<vmem>> -> memref<200x128xi32, #tpu.memory_space<vmem>>
    %dma_start3A_60 = arith.constant 0 : i32
    %dma_start3A_61 = tpu.memref_slice %arg3[%dma_start3A_60, %add3A_48] : memref<200x16384xi32, #tpu.memory_space<hbm>> -> memref<200x128xi32, #tpu.memory_space<hbm>>
    tpu.enqueue_dma source(%dma_start3A_61 : memref<200x128xi32, #tpu.memory_space<hbm>>) target(%dma_start3A_59 : memref<200x128xi32, #tpu.memory_space<vmem>>) target_semaphore(%arg9 : memref<!tpu.dma_semaphore, #tpu.memory_space<semaphore_mem>>)
    %dma_wait3A_62 = arith.constant 1 : i32
    %dma_wait3A_63 = arith.constant 0 : i32
    %dma_wait3A_64 = arith.constant 0 : i32
    %dma_wait3A_65 = tpu.memref_slice %arg6[%dma_wait3A_62, %dma_wait3A_63, %dma_wait3A_64] : memref<2x200x128xi32, #tpu.memory_space<vmem>> -> memref<1x200x128xi32, #tpu.memory_space<vmem>>
    %dma_wait3A_66 = tpu.memref_squeeze %dma_wait3A_65 : memref<1x200x128xi32, #tpu.memory_space<vmem>> -> memref<200x128xi32, #tpu.memory_space<vmem>>
    %dma_wait3A_67 = arith.constant 0 : i32
    %dma_wait3A_68 = tpu.memref_slice %arg3[%dma_wait3A_67, %add3A_16] : memref<200x16384xi32, #tpu.memory_space<hbm>> -> memref<200x128xi32, #tpu.memory_space<hbm>>
    %dma_wait3A_69 = arith.constant 0 : i32
    %dma_wait3A_70 = arith.constant 0 : i32
    %dma_wait3A_71 = tpu.memref_slice %arg6[%dma_wait3A_62, %dma_wait3A_69, %dma_wait3A_70] : memref<2x200x128xi32, #tpu.memory_space<vmem>> -> memref<1x200x128xi32, #tpu.memory_space<vmem>>
    %dma_wait3A_72 = tpu.memref_squeeze %dma_wait3A_71 : memref<1x200x128xi32, #tpu.memory_space<vmem>> -> memref<200x128xi32, #tpu.memory_space<vmem>>
    %dma_wait3A_73 = arith.constant 0 : i32
    %dma_wait3A_74 = tpu.memref_slice %arg3[%dma_wait3A_73, %add3A_16] : memref<200x16384xi32, #tpu.memory_space<hbm>> -> memref<200x128xi32, #tpu.memory_space<hbm>>
    tpu.wait_dma2 semaphore(%arg10 : memref<!tpu.dma_semaphore, #tpu.memory_space<semaphore_mem>>) src(%dma_wait3A_74 : memref<200x128xi32, #tpu.memory_space<hbm>>) dst(%dma_wait3A_72 : memref<200x128xi32, #tpu.memory_space<vmem>>)
    %scan3A_75 = arith.constant 0 : i32
    %scan3A_76 = arith.constant 0 : i32
    %scan3A_77 = arith.constant 8 : i32
    %scan3A_78 = arith.addi %scan3A_76, %scan3A_77 : i32
    %scan3A_79 = arith.constant 1 : i32
    scf.for %scan3A_134 = %scan3A_76 to %scan3A_78 step %scan3A_79  : i32 {
      %broadcast_in_dim3A = arith.constant 0.000000e+00 : f32
      %broadcast_in_dim3A_135 = vector.broadcast %broadcast_in_dim3A : f32 to vector<16xf32>
      %scan3A_136 = arith.constant 0 : i32
      %scan3A_137 = arith.constant 200 : i32
      %scan3A_138 = arith.addi %scan3A_136, %scan3A_137 : i32
      %scan3A_139 = arith.constant 10 : i32
      %scan3A_140 = scf.for %scan3A_147 = %scan3A_136 to %scan3A_138 step %scan3A_139 iter_args(%scan3A_148 = %broadcast_in_dim3A_135) -> (vector<16xf32>)  : i32 {
        %mul3A_149 = arith.constant 16 : i32
        %mul3A_150 = arith.muli %scan3A_134, %mul3A_149 : i32
        %get3A = arith.constant 1 : i32
        %get3A_151 = arith.index_cast %get3A : i32 to index
        %get3A_152 = arith.index_cast %scan3A_147 : i32 to index
        %get3A_153 = arith.index_cast %mul3A_150 : i32 to index
        %get3A_154 = tpu.vector_load %arg6[%get3A_151, %get3A_152, %get3A_153] {strides = array<i32>} : memref<2x200x128xi32, #tpu.memory_space<vmem>>, vector<16xi32>,
        %gather3A = tpu.vector_load_idx %arg5[%get3A_154] : memref<25600xf32, #tpu.memory_space<vmem>>[vector<16xi32>], vector<16xf32>,
        %add3A_155 = arith.addf %scan3A_148, %gather3A : vector<16xf32>
        %scan3A_156 = arith.constant 1 : i32
        %scan3A_157 = arith.addi %scan3A_147, %scan3A_156 : i32
        %mul3A_158 = arith.constant 16 : i32
        %mul3A_159 = arith.muli %scan3A_134, %mul3A_158 : i32
        %get3A_160 = arith.constant 1 : i32
        %get3A_161 = arith.index_cast %get3A_160 : i32 to index
        %get3A_162 = arith.index_cast %scan3A_157 : i32 to index
        %get3A_163 = arith.index_cast %mul3A_159 : i32 to index
        %get3A_164 = tpu.vector_load %arg6[%get3A_161, %get3A_162, %get3A_163] {strides = array<i32>} : memref<2x200x128xi32, #tpu.memory_space<vmem>>, vector<16xi32>,
        %gather3A_165 = tpu.vector_load_idx %arg5[%get3A_164] : memref<25600xf32, #tpu.memory_space<vmem>>[vector<16xi32>], vector<16xf32>,
        %add3A_166 = arith.addf %add3A_155, %gather3A_165 : vector<16xf32>
        %scan3A_167 = arith.constant 2 : i32
        %scan3A_168 = arith.addi %scan3A_147, %scan3A_167 : i32
        %mul3A_169 = arith.constant 16 : i32
        %mul3A_170 = arith.muli %scan3A_134, %mul3A_169 : i32
        %get3A_171 = arith.constant 1 : i32
        %get3A_172 = arith.index_cast %get3A_171 : i32 to index
        %get3A_173 = arith.index_cast %scan3A_168 : i32 to index
        %get3A_174 = arith.index_cast %mul3A_170 : i32 to index
        %get3A_175 = tpu.vector_load %arg6[%get3A_172, %get3A_173, %get3A_174] {strides = array<i32>} : memref<2x200x128xi32, #tpu.memory_space<vmem>>, vector<16xi32>,
        %gather3A_176 = tpu.vector_load_idx %arg5[%get3A_175] : memref<25600xf32, #tpu.memory_space<vmem>>[vector<16xi32>], vector<16xf32>,
        %add3A_177 = arith.addf %add3A_166, %gather3A_176 : vector<16xf32>
        %scan3A_178 = arith.constant 3 : i32
        %scan3A_179 = arith.addi %scan3A_147, %scan3A_178 : i32
        %mul3A_180 = arith.constant 16 : i32
        %mul3A_181 = arith.muli %scan3A_134, %mul3A_180 : i32
        %get3A_182 = arith.constant 1 : i32
        %get3A_183 = arith.index_cast %get3A_182 : i32 to index
        %get3A_184 = arith.index_cast %scan3A_179 : i32 to index
        %get3A_185 = arith.index_cast %mul3A_181 : i32 to index
        %get3A_186 = tpu.vector_load %arg6[%get3A_183, %get3A_184, %get3A_185] {strides = array<i32>} : memref<2x200x128xi32, #tpu.memory_space<vmem>>, vector<16xi32>,
        %gather3A_187 = tpu.vector_load_idx %arg5[%get3A_186] : memref<25600xf32, #tpu.memory_space<vmem>>[vector<16xi32>], vector<16xf32>,
        %add3A_188 = arith.addf %add3A_177, %gather3A_187 : vector<16xf32>
        %scan3A_189 = arith.constant 4 : i32
        %scan3A_190 = arith.addi %scan3A_147, %scan3A_189 : i32
        %mul3A_191 = arith.constant 16 : i32
        %mul3A_192 = arith.muli %scan3A_134, %mul3A_191 : i32
        %get3A_193 = arith.constant 1 : i32
        %get3A_194 = arith.index_cast %get3A_193 : i32 to index
        %get3A_195 = arith.index_cast %scan3A_190 : i32 to index
        %get3A_196 = arith.index_cast %mul3A_192 : i32 to index
        %get3A_197 = tpu.vector_load %arg6[%get3A_194, %get3A_195, %get3A_196] {strides = array<i32>} : memref<2x200x128xi32, #tpu.memory_space<vmem>>, vector<16xi32>,
        %gather3A_198 = tpu.vector_load_idx %arg5[%get3A_197] : memref<25600xf32, #tpu.memory_space<vmem>>[vector<16xi32>], vector<16xf32>,
        %add3A_199 = arith.addf %add3A_188, %gather3A_198 : vector<16xf32>
        %scan3A_200 = arith.constant 5 : i32
        %scan3A_201 = arith.addi %scan3A_147, %scan3A_200 : i32
        %mul3A_202 = arith.constant 16 : i32
        %mul3A_203 = arith.muli %scan3A_134, %mul3A_202 : i32
        %get3A_204 = arith.constant 1 : i32
        %get3A_205 = arith.index_cast %get3A_204 : i32 to index
        %get3A_206 = arith.index_cast %scan3A_201 : i32 to index
        %get3A_207 = arith.index_cast %mul3A_203 : i32 to index
        %get3A_208 = tpu.vector_load %arg6[%get3A_205, %get3A_206, %get3A_207] {strides = array<i32>} : memref<2x200x128xi32, #tpu.memory_space<vmem>>, vector<16xi32>,
        %gather3A_209 = tpu.vector_load_idx %arg5[%get3A_208] : memref<25600xf32, #tpu.memory_space<vmem>>[vector<16xi32>], vector<16xf32>,
        %add3A_210 = arith.addf %add3A_199, %gather3A_209 : vector<16xf32>
        %scan3A_211 = arith.constant 6 : i32
        %scan3A_212 = arith.addi %scan3A_147, %scan3A_211 : i32
        %mul3A_213 = arith.constant 16 : i32
        %mul3A_214 = arith.muli %scan3A_134, %mul3A_213 : i32
        %get3A_215 = arith.constant 1 : i32
        %get3A_216 = arith.index_cast %get3A_215 : i32 to index
        %get3A_217 = arith.index_cast %scan3A_212 : i32 to index
        %get3A_218 = arith.index_cast %mul3A_214 : i32 to index
        %get3A_219 = tpu.vector_load %arg6[%get3A_216, %get3A_217, %get3A_218] {strides = array<i32>} : memref<2x200x128xi32, #tpu.memory_space<vmem>>, vector<16xi32>,
        %gather3A_220 = tpu.vector_load_idx %arg5[%get3A_219] : memref<25600xf32, #tpu.memory_space<vmem>>[vector<16xi32>], vector<16xf32>,
        %add3A_221 = arith.addf %add3A_210, %gather3A_220 : vector<16xf32>
        %scan3A_222 = arith.constant 7 : i32
        %scan3A_223 = arith.addi %scan3A_147, %scan3A_222 : i32
        %mul3A_224 = arith.constant 16 : i32
        %mul3A_225 = arith.muli %scan3A_134, %mul3A_224 : i32
        %get3A_226 = arith.constant 1 : i32
        %get3A_227 = arith.index_cast %get3A_226 : i32 to index
        %get3A_228 = arith.index_cast %scan3A_223 : i32 to index
        %get3A_229 = arith.index_cast %mul3A_225 : i32 to index
        %get3A_230 = tpu.vector_load %arg6[%get3A_227, %get3A_228, %get3A_229] {strides = array<i32>} : memref<2x200x128xi32, #tpu.memory_space<vmem>>, vector<16xi32>,
        %gather3A_231 = tpu.vector_load_idx %arg5[%get3A_230] : memref<25600xf32, #tpu.memory_space<vmem>>[vector<16xi32>], vector<16xf32>,
        %add3A_232 = arith.addf %add3A_221, %gather3A_231 : vector<16xf32>
        %scan3A_233 = arith.constant 8 : i32
        %scan3A_234 = arith.addi %scan3A_147, %scan3A_233 : i32
        %mul3A_235 = arith.constant 16 : i32
        %mul3A_236 = arith.muli %scan3A_134, %mul3A_235 : i32
        %get3A_237 = arith.constant 1 : i32
        %get3A_238 = arith.index_cast %get3A_237 : i32 to index
        %get3A_239 = arith.index_cast %scan3A_234 : i32 to index
        %get3A_240 = arith.index_cast %mul3A_236 : i32 to index
        %get3A_241 = tpu.vector_load %arg6[%get3A_238, %get3A_239, %get3A_240] {strides = array<i32>} : memref<2x200x128xi32, #tpu.memory_space<vmem>>, vector<16xi32>,
        %gather3A_242 = tpu.vector_load_idx %arg5[%get3A_241] : memref<25600xf32, #tpu.memory_space<vmem>>[vector<16xi32>], vector<16xf32>,
        %add3A_243 = arith.addf %add3A_232, %gather3A_242 : vector<16xf32>
        %scan3A_244 = arith.constant 9 : i32
        %scan3A_245 = arith.addi %scan3A_147, %scan3A_244 : i32
        %mul3A_246 = arith.constant 16 : i32
        %mul3A_247 = arith.muli %scan3A_134, %mul3A_246 : i32
        %get3A_248 = arith.constant 1 : i32
        %get3A_249 = arith.index_cast %get3A_248 : i32 to index
        %get3A_250 = arith.index_cast %scan3A_245 : i32 to index
        %get3A_251 = arith.index_cast %mul3A_247 : i32 to index
        %get3A_252 = tpu.vector_load %arg6[%get3A_249, %get3A_250, %get3A_251] {strides = array<i32>} : memref<2x200x128xi32, #tpu.memory_space<vmem>>, vector<16xi32>,
        %gather3A_253 = tpu.vector_load_idx %arg5[%get3A_252] : memref<25600xf32, #tpu.memory_space<vmem>>[vector<16xi32>], vector<16xf32>,
        %add3A_254 = arith.addf %add3A_243, %gather3A_253 : vector<16xf32>
        scf.yield %add3A_254 : vector<16xf32>
      }
      %scan3A_141 = arith.constant 200 : i32
      %mul3A_142 = arith.constant 16 : i32
      %mul3A_143 = arith.muli %scan3A_134, %mul3A_142 : i32
      %add3A_144 = arith.constant 128 : i32
      %add3A_145 = arith.addi %add3A_144, %mul3A_143 : i32
      %swap3A = arith.index_cast %add3A_145 : i32 to index
      %swap3A_146 = tpu.vector_load %arg7[%swap3A] {strides = array<i32>} : memref<512xf32, #tpu.memory_space<vmem>>, vector<16xf32>,
      tpu.vector_store %arg7[%swap3A], %scan3A_140 {strides = array<i32>} : memref<512xf32, #tpu.memory_space<vmem>>, vector<16xf32>,
    }
    %scan3A_80 = arith.constant 8 : i32
    %add3A_81 = arith.constant 384 : i32
    %add3A_82 = arith.addi %mul3A_2, %add3A_81 : i32
    %dma_start3A_83 = arith.constant 1 : i32
    %dma_start3A_84 = arith.constant 0 : i32
    %dma_start3A_85 = arith.constant 0 : i32
    %dma_start3A_86 = tpu.memref_slice %arg6[%dma_start3A_83, %dma_start3A_84, %dma_start3A_85] : memref<2x200x128xi32, #tpu.memory_space<vmem>> -> memref<1x200x128xi32, #tpu.memory_space<vmem>>
    %dma_start3A_87 = tpu.memref_squeeze %dma_start3A_86 : memref<1x200x128xi32, #tpu.memory_space<vmem>> -> memref<200x128xi32, #tpu.memory_space<vmem>>
    %dma_start3A_88 = arith.constant 0 : i32
    %dma_start3A_89 = tpu.memref_slice %arg3[%dma_start3A_88, %add3A_82] : memref<200x16384xi32, #tpu.memory_space<hbm>> -> memref<200x128xi32, #tpu.memory_space<hbm>>
    %dma_start3A_90 = arith.constant 0 : i32
    %dma_start3A_91 = arith.constant 0 : i32
    %dma_start3A_92 = tpu.memref_slice %arg6[%dma_start3A_83, %dma_start3A_90, %dma_start3A_91] : memref<2x200x128xi32, #tpu.memory_space<vmem>> -> memref<1x200x128xi32, #tpu.memory_space<vmem>>
    %dma_start3A_93 = tpu.memref_squeeze %dma_start3A_92 : memref<1x200x128xi32, #tpu.memory_space<vmem>> -> memref<200x128xi32, #tpu.memory_space<vmem>>
    %dma_start3A_94 = arith.constant 0 : i32
    %dma_start3A_95 = tpu.memref_slice %arg3[%dma_start3A_94, %add3A_82] : memref<200x16384xi32, #tpu.memory_space<hbm>> -> memref<200x128xi32, #tpu.memory_space<hbm>>
    tpu.enqueue_dma source(%dma_start3A_95 : memref<200x128xi32, #tpu.memory_space<hbm>>) target(%dma_start3A_93 : memref<200x128xi32, #tpu.memory_space<vmem>>) target_semaphore(%arg10 : memref<!tpu.dma_semaphore, #tpu.memory_space<semaphore_mem>>)
    %dma_wait3A_96 = arith.constant 0 : i32
    %dma_wait3A_97 = arith.constant 0 : i32
    %dma_wait3A_98 = arith.constant 0 : i32
    %dma_wait3A_99 = tpu.memref_slice %arg6[%dma_wait3A_96, %dma_wait3A_97, %dma_wait3A_98] : memref<2x200x128xi32, #tpu.memory_space<vmem>> -> memref<1x200x128xi32, #tpu.memory_space<vmem>>
    %dma_wait3A_100 = tpu.memref_squeeze %dma_wait3A_99 : memref<1x200x128xi32, #tpu.memory_space<vmem>> -> memref<200x128xi32, #tpu.memory_space<vmem>>
    %dma_wait3A_101 = arith.constant 0 : i32
    %dma_wait3A_102 = tpu.memref_slice %arg3[%dma_wait3A_101, %add3A_48] : memref<200x16384xi32, #tpu.memory_space<hbm>> -> memref<200x128xi32, #tpu.memory_space<hbm>>
    %dma_wait3A_103 = arith.constant 0 : i32
    %dma_wait3A_104 = arith.constant 0 : i32
    %dma_wait3A_105 = tpu.memref_slice %arg6[%dma_wait3A_96, %dma_wait3A_103, %dma_wait3A_104] : memref<2x200x128xi32, #tpu.memory_space<vmem>> -> memref<1x200x128xi32, #tpu.memory_space<vmem>>
    %dma_wait3A_106 = tpu.memref_squeeze %dma_wait3A_105 : memref<1x200x128xi32, #tpu.memory_space<vmem>> -> memref<200x128xi32, #tpu.memory_space<vmem>>
    %dma_wait3A_107 = arith.constant 0 : i32
    %dma_wait3A_108 = tpu.memref_slice %arg3[%dma_wait3A_107, %add3A_48] : memref<200x16384xi32, #tpu.memory_space<hbm>> -> memref<200x128xi32, #tpu.memory_space<hbm>>
    tpu.wait_dma2 semaphore(%arg9 : memref<!tpu.dma_semaphore, #tpu.memory_space<semaphore_mem>>) src(%dma_wait3A_108 : memref<200x128xi32, #tpu.memory_space<hbm>>) dst(%dma_wait3A_106 : memref<200x128xi32, #tpu.memory_space<vmem>>)
    %scan3A_109 = arith.constant 0 : i32
    %scan3A_110 = arith.constant 0 : i32
    %scan3A_111 = arith.constant 8 : i32
    %scan3A_112 = arith.addi %scan3A_110, %scan3A_111 : i32
    %scan3A_113 = arith.constant 1 : i32
    scf.for %scan3A_134 = %scan3A_110 to %scan3A_112 step %scan3A_113  : i32 {
      %broadcast_in_dim3A = arith.constant 0.000000e+00 : f32
      %broadcast_in_dim3A_135 = vector.broadcast %broadcast_in_dim3A : f32 to vector<16xf32>
      %scan3A_136 = arith.constant 0 : i32
      %scan3A_137 = arith.constant 200 : i32
      %scan3A_138 = arith.addi %scan3A_136, %scan3A_137 : i32
      %scan3A_139 = arith.constant 10 : i32
      %scan3A_140 = scf.for %scan3A_147 = %scan3A_136 to %scan3A_138 step %scan3A_139 iter_args(%scan3A_148 = %broadcast_in_dim3A_135) -> (vector<16xf32>)  : i32 {
        %mul3A_149 = arith.constant 16 : i32
        %mul3A_150 = arith.muli %scan3A_134, %mul3A_149 : i32
        %get3A = arith.constant 0 : i32
        %get3A_151 = arith.index_cast %get3A : i32 to index
        %get3A_152 = arith.index_cast %scan3A_147 : i32 to index
        %get3A_153 = arith.index_cast %mul3A_150 : i32 to index
        %get3A_154 = tpu.vector_load %arg6[%get3A_151, %get3A_152, %get3A_153] {strides = array<i32>} : memref<2x200x128xi32, #tpu.memory_space<vmem>>, vector<16xi32>,
        %gather3A = tpu.vector_load_idx %arg5[%get3A_154] : memref<25600xf32, #tpu.memory_space<vmem>>[vector<16xi32>], vector<16xf32>,
        %add3A_155 = arith.addf %scan3A_148, %gather3A : vector<16xf32>
        %scan3A_156 = arith.constant 1 : i32
        %scan3A_157 = arith.addi %scan3A_147, %scan3A_156 : i32
        %mul3A_158 = arith.constant 16 : i32
        %mul3A_159 = arith.muli %scan3A_134, %mul3A_158 : i32
        %get3A_160 = arith.constant 0 : i32
        %get3A_161 = arith.index_cast %get3A_160 : i32 to index
        %get3A_162 = arith.index_cast %scan3A_157 : i32 to index
        %get3A_163 = arith.index_cast %mul3A_159 : i32 to index
        %get3A_164 = tpu.vector_load %arg6[%get3A_161, %get3A_162, %get3A_163] {strides = array<i32>} : memref<2x200x128xi32, #tpu.memory_space<vmem>>, vector<16xi32>,
        %gather3A_165 = tpu.vector_load_idx %arg5[%get3A_164] : memref<25600xf32, #tpu.memory_space<vmem>>[vector<16xi32>], vector<16xf32>,
        %add3A_166 = arith.addf %add3A_155, %gather3A_165 : vector<16xf32>
        %scan3A_167 = arith.constant 2 : i32
        %scan3A_168 = arith.addi %scan3A_147, %scan3A_167 : i32
        %mul3A_169 = arith.constant 16 : i32
        %mul3A_170 = arith.muli %scan3A_134, %mul3A_169 : i32
        %get3A_171 = arith.constant 0 : i32
        %get3A_172 = arith.index_cast %get3A_171 : i32 to index
        %get3A_173 = arith.index_cast %scan3A_168 : i32 to index
        %get3A_174 = arith.index_cast %mul3A_170 : i32 to index
        %get3A_175 = tpu.vector_load %arg6[%get3A_172, %get3A_173, %get3A_174] {strides = array<i32>} : memref<2x200x128xi32, #tpu.memory_space<vmem>>, vector<16xi32>,
        %gather3A_176 = tpu.vector_load_idx %arg5[%get3A_175] : memref<25600xf32, #tpu.memory_space<vmem>>[vector<16xi32>], vector<16xf32>,
        %add3A_177 = arith.addf %add3A_166, %gather3A_176 : vector<16xf32>
        %scan3A_178 = arith.constant 3 : i32
        %scan3A_179 = arith.addi %scan3A_147, %scan3A_178 : i32
        %mul3A_180 = arith.constant 16 : i32
        %mul3A_181 = arith.muli %scan3A_134, %mul3A_180 : i32
        %get3A_182 = arith.constant 0 : i32
        %get3A_183 = arith.index_cast %get3A_182 : i32 to index
        %get3A_184 = arith.index_cast %scan3A_179 : i32 to index
        %get3A_185 = arith.index_cast %mul3A_181 : i32 to index
        %get3A_186 = tpu.vector_load %arg6[%get3A_183, %get3A_184, %get3A_185] {strides = array<i32>} : memref<2x200x128xi32, #tpu.memory_space<vmem>>, vector<16xi32>,
        %gather3A_187 = tpu.vector_load_idx %arg5[%get3A_186] : memref<25600xf32, #tpu.memory_space<vmem>>[vector<16xi32>], vector<16xf32>,
        %add3A_188 = arith.addf %add3A_177, %gather3A_187 : vector<16xf32>
        %scan3A_189 = arith.constant 4 : i32
        %scan3A_190 = arith.addi %scan3A_147, %scan3A_189 : i32
        %mul3A_191 = arith.constant 16 : i32
        %mul3A_192 = arith.muli %scan3A_134, %mul3A_191 : i32
        %get3A_193 = arith.constant 0 : i32
        %get3A_194 = arith.index_cast %get3A_193 : i32 to index
        %get3A_195 = arith.index_cast %scan3A_190 : i32 to index
        %get3A_196 = arith.index_cast %mul3A_192 : i32 to index
        %get3A_197 = tpu.vector_load %arg6[%get3A_194, %get3A_195, %get3A_196] {strides = array<i32>} : memref<2x200x128xi32, #tpu.memory_space<vmem>>, vector<16xi32>,
        %gather3A_198 = tpu.vector_load_idx %arg5[%get3A_197] : memref<25600xf32, #tpu.memory_space<vmem>>[vector<16xi32>], vector<16xf32>,
        %add3A_199 = arith.addf %add3A_188, %gather3A_198 : vector<16xf32>
        %scan3A_200 = arith.constant 5 : i32
        %scan3A_201 = arith.addi %scan3A_147, %scan3A_200 : i32
        %mul3A_202 = arith.constant 16 : i32
        %mul3A_203 = arith.muli %scan3A_134, %mul3A_202 : i32
        %get3A_204 = arith.constant 0 : i32
        %get3A_205 = arith.index_cast %get3A_204 : i32 to index
        %get3A_206 = arith.index_cast %scan3A_201 : i32 to index
        %get3A_207 = arith.index_cast %mul3A_203 : i32 to index
        %get3A_208 = tpu.vector_load %arg6[%get3A_205, %get3A_206, %get3A_207] {strides = array<i32>} : memref<2x200x128xi32, #tpu.memory_space<vmem>>, vector<16xi32>,
        %gather3A_209 = tpu.vector_load_idx %arg5[%get3A_208] : memref<25600xf32, #tpu.memory_space<vmem>>[vector<16xi32>], vector<16xf32>,
        %add3A_210 = arith.addf %add3A_199, %gather3A_209 : vector<16xf32>
        %scan3A_211 = arith.constant 6 : i32
        %scan3A_212 = arith.addi %scan3A_147, %scan3A_211 : i32
        %mul3A_213 = arith.constant 16 : i32
        %mul3A_214 = arith.muli %scan3A_134, %mul3A_213 : i32
        %get3A_215 = arith.constant 0 : i32
        %get3A_216 = arith.index_cast %get3A_215 : i32 to index
        %get3A_217 = arith.index_cast %scan3A_212 : i32 to index
        %get3A_218 = arith.index_cast %mul3A_214 : i32 to index
        %get3A_219 = tpu.vector_load %arg6[%get3A_216, %get3A_217, %get3A_218] {strides = array<i32>} : memref<2x200x128xi32, #tpu.memory_space<vmem>>, vector<16xi32>,
        %gather3A_220 = tpu.vector_load_idx %arg5[%get3A_219] : memref<25600xf32, #tpu.memory_space<vmem>>[vector<16xi32>], vector<16xf32>,
        %add3A_221 = arith.addf %add3A_210, %gather3A_220 : vector<16xf32>
        %scan3A_222 = arith.constant 7 : i32
        %scan3A_223 = arith.addi %scan3A_147, %scan3A_222 : i32
        %mul3A_224 = arith.constant 16 : i32
        %mul3A_225 = arith.muli %scan3A_134, %mul3A_224 : i32
        %get3A_226 = arith.constant 0 : i32
        %get3A_227 = arith.index_cast %get3A_226 : i32 to index
        %get3A_228 = arith.index_cast %scan3A_223 : i32 to index
        %get3A_229 = arith.index_cast %mul3A_225 : i32 to index
        %get3A_230 = tpu.vector_load %arg6[%get3A_227, %get3A_228, %get3A_229] {strides = array<i32>} : memref<2x200x128xi32, #tpu.memory_space<vmem>>, vector<16xi32>,
        %gather3A_231 = tpu.vector_load_idx %arg5[%get3A_230] : memref<25600xf32, #tpu.memory_space<vmem>>[vector<16xi32>], vector<16xf32>,
        %add3A_232 = arith.addf %add3A_221, %gather3A_231 : vector<16xf32>
        %scan3A_233 = arith.constant 8 : i32
        %scan3A_234 = arith.addi %scan3A_147, %scan3A_233 : i32
        %mul3A_235 = arith.constant 16 : i32
        %mul3A_236 = arith.muli %scan3A_134, %mul3A_235 : i32
        %get3A_237 = arith.constant 0 : i32
        %get3A_238 = arith.index_cast %get3A_237 : i32 to index
        %get3A_239 = arith.index_cast %scan3A_234 : i32 to index
        %get3A_240 = arith.index_cast %mul3A_236 : i32 to index
        %get3A_241 = tpu.vector_load %arg6[%get3A_238, %get3A_239, %get3A_240] {strides = array<i32>} : memref<2x200x128xi32, #tpu.memory_space<vmem>>, vector<16xi32>,
        %gather3A_242 = tpu.vector_load_idx %arg5[%get3A_241] : memref<25600xf32, #tpu.memory_space<vmem>>[vector<16xi32>], vector<16xf32>,
        %add3A_243 = arith.addf %add3A_232, %gather3A_242 : vector<16xf32>
        %scan3A_244 = arith.constant 9 : i32
        %scan3A_245 = arith.addi %scan3A_147, %scan3A_244 : i32
        %mul3A_246 = arith.constant 16 : i32
        %mul3A_247 = arith.muli %scan3A_134, %mul3A_246 : i32
        %get3A_248 = arith.constant 0 : i32
        %get3A_249 = arith.index_cast %get3A_248 : i32 to index
        %get3A_250 = arith.index_cast %scan3A_245 : i32 to index
        %get3A_251 = arith.index_cast %mul3A_247 : i32 to index
        %get3A_252 = tpu.vector_load %arg6[%get3A_249, %get3A_250, %get3A_251] {strides = array<i32>} : memref<2x200x128xi32, #tpu.memory_space<vmem>>, vector<16xi32>,
        %gather3A_253 = tpu.vector_load_idx %arg5[%get3A_252] : memref<25600xf32, #tpu.memory_space<vmem>>[vector<16xi32>], vector<16xf32>,
        %add3A_254 = arith.addf %add3A_243, %gather3A_253 : vector<16xf32>
        scf.yield %add3A_254 : vector<16xf32>
      }
      %scan3A_141 = arith.constant 200 : i32
      %mul3A_142 = arith.constant 16 : i32
      %mul3A_143 = arith.muli %scan3A_134, %mul3A_142 : i32
      %add3A_144 = arith.constant 256 : i32
      %add3A_145 = arith.addi %add3A_144, %mul3A_143 : i32
      %swap3A = arith.index_cast %add3A_145 : i32 to index
      %swap3A_146 = tpu.vector_load %arg7[%swap3A] {strides = array<i32>} : memref<512xf32, #tpu.memory_space<vmem>>, vector<16xf32>,
      tpu.vector_store %arg7[%swap3A], %scan3A_140 {strides = array<i32>} : memref<512xf32, #tpu.memory_space<vmem>>, vector<16xf32>,
    }
    %scan3A_114 = arith.constant 8 : i32
    %dma_wait3A_115 = arith.constant 1 : i32
    %dma_wait3A_116 = arith.constant 0 : i32
    %dma_wait3A_117 = arith.constant 0 : i32
    %dma_wait3A_118 = tpu.memref_slice %arg6[%dma_wait3A_115, %dma_wait3A_116, %dma_wait3A_117] : memref<2x200x128xi32, #tpu.memory_space<vmem>> -> memref<1x200x128xi32, #tpu.memory_space<vmem>>
    %dma_wait3A_119 = tpu.memref_squeeze %dma_wait3A_118 : memref<1x200x128xi32, #tpu.memory_space<vmem>> -> memref<200x128xi32, #tpu.memory_space<vmem>>
    %dma_wait3A_120 = arith.constant 0 : i32
    %dma_wait3A_121 = tpu.memref_slice %arg3[%dma_wait3A_120, %add3A_82] : memref<200x16384xi32, #tpu.memory_space<hbm>> -> memref<200x128xi32, #tpu.memory_space<hbm>>
    %dma_wait3A_122 = arith.constant 0 : i32
    %dma_wait3A_123 = arith.constant 0 : i32
    %dma_wait3A_124 = tpu.memref_slice %arg6[%dma_wait3A_115, %dma_wait3A_122, %dma_wait3A_123] : memref<2x200x128xi32, #tpu.memory_space<vmem>> -> memref<1x200x128xi32, #tpu.memory_space<vmem>>
    %dma_wait3A_125 = tpu.memref_squeeze %dma_wait3A_124 : memref<1x200x128xi32, #tpu.memory_space<vmem>> -> memref<200x128xi32, #tpu.memory_space<vmem>>
    %dma_wait3A_126 = arith.constant 0 : i32
    %dma_wait3A_127 = tpu.memref_slice %arg3[%dma_wait3A_126, %add3A_82] : memref<200x16384xi32, #tpu.memory_space<hbm>> -> memref<200x128xi32, #tpu.memory_space<hbm>>
    tpu.wait_dma2 semaphore(%arg10 : memref<!tpu.dma_semaphore, #tpu.memory_space<semaphore_mem>>) src(%dma_wait3A_127 : memref<200x128xi32, #tpu.memory_space<hbm>>) dst(%dma_wait3A_125 : memref<200x128xi32, #tpu.memory_space<vmem>>)
    %scan3A_128 = arith.constant 0 : i32
    %scan3A_129 = arith.constant 0 : i32
    %scan3A_130 = arith.constant 8 : i32
    %scan3A_131 = arith.addi %scan3A_129, %scan3A_130 : i32
    %scan3A_132 = arith.constant 1 : i32
    scf.for %scan3A_134 = %scan3A_129 to %scan3A_131 step %scan3A_132  : i32 {
      %broadcast_in_dim3A = arith.constant 0.000000e+00 : f32
      %broadcast_in_dim3A_135 = vector.broadcast %broadcast_in_dim3A : f32 to vector<16xf32>
      %scan3A_136 = arith.constant 0 : i32
      %scan3A_137 = arith.constant 200 : i32
      %scan3A_138 = arith.addi %scan3A_136, %scan3A_137 : i32
      %scan3A_139 = arith.constant 10 : i32
      %scan3A_140 = scf.for %scan3A_147 = %scan3A_136 to %scan3A_138 step %scan3A_139 iter_args(%scan3A_148 = %broadcast_in_dim3A_135) -> (vector<16xf32>)  : i32 {
        %mul3A_149 = arith.constant 16 : i32
        %mul3A_150 = arith.muli %scan3A_134, %mul3A_149 : i32
        %get3A = arith.constant 1 : i32
        %get3A_151 = arith.index_cast %get3A : i32 to index
        %get3A_152 = arith.index_cast %scan3A_147 : i32 to index
        %get3A_153 = arith.index_cast %mul3A_150 : i32 to index
        %get3A_154 = tpu.vector_load %arg6[%get3A_151, %get3A_152, %get3A_153] {strides = array<i32>} : memref<2x200x128xi32, #tpu.memory_space<vmem>>, vector<16xi32>,
        %gather3A = tpu.vector_load_idx %arg5[%get3A_154] : memref<25600xf32, #tpu.memory_space<vmem>>[vector<16xi32>], vector<16xf32>,
        %add3A_155 = arith.addf %scan3A_148, %gather3A : vector<16xf32>
        %scan3A_156 = arith.constant 1 : i32
        %scan3A_157 = arith.addi %scan3A_147, %scan3A_156 : i32
        %mul3A_158 = arith.constant 16 : i32
        %mul3A_159 = arith.muli %scan3A_134, %mul3A_158 : i32
        %get3A_160 = arith.constant 1 : i32
        %get3A_161 = arith.index_cast %get3A_160 : i32 to index
        %get3A_162 = arith.index_cast %scan3A_157 : i32 to index
        %get3A_163 = arith.index_cast %mul3A_159 : i32 to index
        %get3A_164 = tpu.vector_load %arg6[%get3A_161, %get3A_162, %get3A_163] {strides = array<i32>} : memref<2x200x128xi32, #tpu.memory_space<vmem>>, vector<16xi32>,
        %gather3A_165 = tpu.vector_load_idx %arg5[%get3A_164] : memref<25600xf32, #tpu.memory_space<vmem>>[vector<16xi32>], vector<16xf32>,
        %add3A_166 = arith.addf %add3A_155, %gather3A_165 : vector<16xf32>
        %scan3A_167 = arith.constant 2 : i32
        %scan3A_168 = arith.addi %scan3A_147, %scan3A_167 : i32
        %mul3A_169 = arith.constant 16 : i32
        %mul3A_170 = arith.muli %scan3A_134, %mul3A_169 : i32
        %get3A_171 = arith.constant 1 : i32
        %get3A_172 = arith.index_cast %get3A_171 : i32 to index
        %get3A_173 = arith.index_cast %scan3A_168 : i32 to index
        %get3A_174 = arith.index_cast %mul3A_170 : i32 to index
        %get3A_175 = tpu.vector_load %arg6[%get3A_172, %get3A_173, %get3A_174] {strides = array<i32>} : memref<2x200x128xi32, #tpu.memory_space<vmem>>, vector<16xi32>,
        %gather3A_176 = tpu.vector_load_idx %arg5[%get3A_175] : memref<25600xf32, #tpu.memory_space<vmem>>[vector<16xi32>], vector<16xf32>,
        %add3A_177 = arith.addf %add3A_166, %gather3A_176 : vector<16xf32>
        %scan3A_178 = arith.constant 3 : i32
        %scan3A_179 = arith.addi %scan3A_147, %scan3A_178 : i32
        %mul3A_180 = arith.constant 16 : i32
        %mul3A_181 = arith.muli %scan3A_134, %mul3A_180 : i32
        %get3A_182 = arith.constant 1 : i32
        %get3A_183 = arith.index_cast %get3A_182 : i32 to index
        %get3A_184 = arith.index_cast %scan3A_179 : i32 to index
        %get3A_185 = arith.index_cast %mul3A_181 : i32 to index
        %get3A_186 = tpu.vector_load %arg6[%get3A_183, %get3A_184, %get3A_185] {strides = array<i32>} : memref<2x200x128xi32, #tpu.memory_space<vmem>>, vector<16xi32>,
        %gather3A_187 = tpu.vector_load_idx %arg5[%get3A_186] : memref<25600xf32, #tpu.memory_space<vmem>>[vector<16xi32>], vector<16xf32>,
        %add3A_188 = arith.addf %add3A_177, %gather3A_187 : vector<16xf32>
        %scan3A_189 = arith.constant 4 : i32
        %scan3A_190 = arith.addi %scan3A_147, %scan3A_189 : i32
        %mul3A_191 = arith.constant 16 : i32
        %mul3A_192 = arith.muli %scan3A_134, %mul3A_191 : i32
        %get3A_193 = arith.constant 1 : i32
        %get3A_194 = arith.index_cast %get3A_193 : i32 to index
        %get3A_195 = arith.index_cast %scan3A_190 : i32 to index
        %get3A_196 = arith.index_cast %mul3A_192 : i32 to index
        %get3A_197 = tpu.vector_load %arg6[%get3A_194, %get3A_195, %get3A_196] {strides = array<i32>} : memref<2x200x128xi32, #tpu.memory_space<vmem>>, vector<16xi32>,
        %gather3A_198 = tpu.vector_load_idx %arg5[%get3A_197] : memref<25600xf32, #tpu.memory_space<vmem>>[vector<16xi32>], vector<16xf32>,
        %add3A_199 = arith.addf %add3A_188, %gather3A_198 : vector<16xf32>
        %scan3A_200 = arith.constant 5 : i32
        %scan3A_201 = arith.addi %scan3A_147, %scan3A_200 : i32
        %mul3A_202 = arith.constant 16 : i32
        %mul3A_203 = arith.muli %scan3A_134, %mul3A_202 : i32
        %get3A_204 = arith.constant 1 : i32
        %get3A_205 = arith.index_cast %get3A_204 : i32 to index
        %get3A_206 = arith.index_cast %scan3A_201 : i32 to index
        %get3A_207 = arith.index_cast %mul3A_203 : i32 to index
        %get3A_208 = tpu.vector_load %arg6[%get3A_205, %get3A_206, %get3A_207] {strides = array<i32>} : memref<2x200x128xi32, #tpu.memory_space<vmem>>, vector<16xi32>,
        %gather3A_209 = tpu.vector_load_idx %arg5[%get3A_208] : memref<25600xf32, #tpu.memory_space<vmem>>[vector<16xi32>], vector<16xf32>,
        %add3A_210 = arith.addf %add3A_199, %gather3A_209 : vector<16xf32>
        %scan3A_211 = arith.constant 6 : i32
        %scan3A_212 = arith.addi %scan3A_147, %scan3A_211 : i32
        %mul3A_213 = arith.constant 16 : i32
        %mul3A_214 = arith.muli %scan3A_134, %mul3A_213 : i32
        %get3A_215 = arith.constant 1 : i32
        %get3A_216 = arith.index_cast %get3A_215 : i32 to index
        %get3A_217 = arith.index_cast %scan3A_212 : i32 to index
        %get3A_218 = arith.index_cast %mul3A_214 : i32 to index
        %get3A_219 = tpu.vector_load %arg6[%get3A_216, %get3A_217, %get3A_218] {strides = array<i32>} : memref<2x200x128xi32, #tpu.memory_space<vmem>>, vector<16xi32>,
        %gather3A_220 = tpu.vector_load_idx %arg5[%get3A_219] : memref<25600xf32, #tpu.memory_space<vmem>>[vector<16xi32>], vector<16xf32>,
        %add3A_221 = arith.addf %add3A_210, %gather3A_220 : vector<16xf32>
        %scan3A_222 = arith.constant 7 : i32
        %scan3A_223 = arith.addi %scan3A_147, %scan3A_222 : i32
        %mul3A_224 = arith.constant 16 : i32
        %mul3A_225 = arith.muli %scan3A_134, %mul3A_224 : i32
        %get3A_226 = arith.constant 1 : i32
        %get3A_227 = arith.index_cast %get3A_226 : i32 to index
        %get3A_228 = arith.index_cast %scan3A_223 : i32 to index
        %get3A_229 = arith.index_cast %mul3A_225 : i32 to index
        %get3A_230 = tpu.vector_load %arg6[%get3A_227, %get3A_228, %get3A_229] {strides = array<i32>} : memref<2x200x128xi32, #tpu.memory_space<vmem>>, vector<16xi32>,
        %gather3A_231 = tpu.vector_load_idx %arg5[%get3A_230] : memref<25600xf32, #tpu.memory_space<vmem>>[vector<16xi32>], vector<16xf32>,
        %add3A_232 = arith.addf %add3A_221, %gather3A_231 : vector<16xf32>
        %scan3A_233 = arith.constant 8 : i32
        %scan3A_234 = arith.addi %scan3A_147, %scan3A_233 : i32
        %mul3A_235 = arith.constant 16 : i32
        %mul3A_236 = arith.muli %scan3A_134, %mul3A_235 : i32
        %get3A_237 = arith.constant 1 : i32
        %get3A_238 = arith.index_cast %get3A_237 : i32 to index
        %get3A_239 = arith.index_cast %scan3A_234 : i32 to index
        %get3A_240 = arith.index_cast %mul3A_236 : i32 to index
        %get3A_241 = tpu.vector_load %arg6[%get3A_238, %get3A_239, %get3A_240] {strides = array<i32>} : memref<2x200x128xi32, #tpu.memory_space<vmem>>, vector<16xi32>,
        %gather3A_242 = tpu.vector_load_idx %arg5[%get3A_241] : memref<25600xf32, #tpu.memory_space<vmem>>[vector<16xi32>], vector<16xf32>,
        %add3A_243 = arith.addf %add3A_232, %gather3A_242 : vector<16xf32>
        %scan3A_244 = arith.constant 9 : i32
        %scan3A_245 = arith.addi %scan3A_147, %scan3A_244 : i32
        %mul3A_246 = arith.constant 16 : i32
        %mul3A_247 = arith.muli %scan3A_134, %mul3A_246 : i32
        %get3A_248 = arith.constant 1 : i32
        %get3A_249 = arith.index_cast %get3A_248 : i32 to index
        %get3A_250 = arith.index_cast %scan3A_245 : i32 to index
        %get3A_251 = arith.index_cast %mul3A_247 : i32 to index
        %get3A_252 = tpu.vector_load %arg6[%get3A_249, %get3A_250, %get3A_251] {strides = array<i32>} : memref<2x200x128xi32, #tpu.memory_space<vmem>>, vector<16xi32>,
        %gather3A_253 = tpu.vector_load_idx %arg5[%get3A_252] : memref<25600xf32, #tpu.memory_space<vmem>>[vector<16xi32>], vector<16xf32>,
        %add3A_254 = arith.addf %add3A_243, %gather3A_253 : vector<16xf32>
        scf.yield %add3A_254 : vector<16xf32>
      }
      %scan3A_141 = arith.constant 200 : i32
      %mul3A_142 = arith.constant 16 : i32
      %mul3A_143 = arith.muli %scan3A_134, %mul3A_142 : i32
      %add3A_144 = arith.constant 384 : i32
      %add3A_145 = arith.addi %add3A_144, %mul3A_143 : i32
      %swap3A = arith.index_cast %add3A_145 : i32 to index
      %swap3A_146 = tpu.vector_load %arg7[%swap3A] {strides = array<i32>} : memref<512xf32, #tpu.memory_space<vmem>>, vector<16xf32>,
      tpu.vector_store %arg7[%swap3A], %scan3A_140 {strides = array<i32>} : memref<512xf32, #tpu.memory_space<vmem>>, vector<16xf32>,
    }
    %scan3A_133 = arith.constant 8 : i32
    "tpu.region"() ({
      %run_scoped3A = tpu.sem_alloc : memref<!tpu.dma_semaphore, #tpu.memory_space<semaphore_mem>>
      %dma_start3A_134 = tpu.memref_slice %arg4[%mul3A_2] : memref<16384xf32, #tpu.memory_space<hbm>> -> memref<512xf32, #tpu.memory_space<hbm>>
      %dma_start3A_135 = tpu.memref_slice %arg4[%mul3A_2] : memref<16384xf32, #tpu.memory_space<hbm>> -> memref<512xf32, #tpu.memory_space<hbm>>
      tpu.enqueue_dma source(%arg7 : memref<512xf32, #tpu.memory_space<vmem>>) target(%dma_start3A_135 : memref<512xf32, #tpu.memory_space<hbm>>) target_semaphore(%run_scoped3A : memref<!tpu.dma_semaphore, #tpu.memory_space<semaphore_mem>>)
      %dma_wait3A_136 = tpu.memref_slice %arg4[%mul3A_2] : memref<16384xf32, #tpu.memory_space<hbm>> -> memref<512xf32, #tpu.memory_space<hbm>>
      %dma_wait3A_137 = tpu.memref_slice %arg4[%mul3A_2] : memref<16384xf32, #tpu.memory_space<hbm>> -> memref<512xf32, #tpu.memory_space<hbm>>
      tpu.wait_dma2 semaphore(%run_scoped3A : memref<!tpu.dma_semaphore, #tpu.memory_space<semaphore_mem>>) src(%arg7 : memref<512xf32, #tpu.memory_space<vmem>>) dst(%dma_wait3A_137 : memref<512xf32, #tpu.memory_space<hbm>>)
      tpu.yield
    }) : () -> ()
    return
  }
}

module attributes {stable_mosaic.version = 14 : i64} {
  func.func @_proj_kernel(%arg0: i32, %arg1: memref<100x25600xf32, #tpu.memory_space<vmem>>, %arg2: memref<1x100xf32, #tpu.memory_space<vmem>>, %arg3: memref<1x1xf32, #tpu.memory_space<vmem>>, %arg4: memref<25600xf32, #tpu.memory_space<vmem>>) attributes {dimension_semantics = [#tpu.dimension_semantics<arbitrary>], iteration_bounds = array<i64: 1>, scalar_prefetch = 0 : i64, scratch_operands = 0 : i64, tpu.core_type = #tpu.core_type<tc>, window_params = [{transform_indices = @transform_0, window_bounds = array<i64: 100, 25600>}, {pipeline_mode = #tpu.pipeline_mode<synchronous>, transform_indices = @transform_1, window_bounds = array<i64: 1, 100>}, {pipeline_mode = #tpu.pipeline_mode<synchronous>, transform_indices = @transform_2, window_bounds = array<i64: 1, 1>}, {transform_indices = @transform_3, window_bounds = array<i64: 25600>}]} {
    %get3A = arith.constant 0 : index
    %get3A_0 = arith.constant 0 : index
    %get3A_1 = vector.load %arg1[%get3A, %get3A_0] : memref<100x25600xf32, #tpu.memory_space<vmem>>, vector<100x25600xf32>
    %get3A_2 = arith.constant 0 : index
    %get3A_3 = arith.constant 0 : index
    %get3A_4 = vector.load %arg2[%get3A_2, %get3A_3] : memref<1x100xf32, #tpu.memory_space<vmem>>, vector<1x100xf32>
    %dot_general3A = arith.constant dense<0.000000e+00> : vector<1x25600xf32>
    %dot_general3A_5 = tpu.matmul %get3A_4, %get3A_1, %dot_general3A {dimension_numbers = #tpu.dot_dimension_numbers<[1], [0], [0], [1], [0, 0, 1, 1], [], []>, transpose_lhs_hint = false} : vector<1x100xf32>, vector<100x25600xf32>, vector<1x25600xf32> -> vector<1x25600xf32>
    %reshape3A = vector.shape_cast %dot_general3A_5 : vector<1x25600xf32> to vector<25600xf32>
    %get3A_6 = arith.constant 0 : index
    %get3A_7 = arith.constant 0 : index
    %get3A_8 = vector.load %arg3[%get3A_6, %get3A_7] : memref<1x1xf32, #tpu.memory_space<vmem>>, vector<1x1xf32>
    %get3A_9 = vector.extract %get3A_8[0, 0] : f32 from vector<1x1xf32>
    %add3A = vector.broadcast %get3A_9 : f32 to vector<25600xf32>
    %add3A_10 = arith.addf %reshape3A, %add3A : vector<25600xf32>
    %mul3A = arith.constant 5.000000e-03 : f32
    %mul3A_11 = vector.broadcast %mul3A : f32 to vector<25600xf32>
    %mul3A_12 = arith.mulf %add3A_10, %mul3A_11 : vector<25600xf32>
    %swap3A = arith.constant 0 : index
    %swap3A_13 = vector.load %arg4[%swap3A] : memref<25600xf32, #tpu.memory_space<vmem>>, vector<25600xf32>
    tpu.vector_store %arg4[%swap3A], %mul3A_12 {strides = array<i32>} : memref<25600xf32, #tpu.memory_space<vmem>>, vector<25600xf32>,
    return
  }
  func.func @transform_0(%arg0: i32) -> (i32, i32) {
    %c0_i32 = arith.constant 0 : i32
    %c0_i32_0 = arith.constant 0 : i32
    return %c0_i32, %arg0 : i32, i32
  }
  func.func @transform_1(%arg0: i32) -> (i32, i32) {
    %c0_i32 = arith.constant 0 : i32
    %c0_i32_0 = arith.constant 0 : i32
    %c0_i32_1 = arith.constant 0 : i32
    return %c0_i32, %c0_i32_0 : i32, i32
  }
  func.func @transform_2(%arg0: i32) -> (i32, i32) {
    %c0_i32 = arith.constant 0 : i32
    %c0_i32_0 = arith.constant 0 : i32
    %c0_i32_1 = arith.constant 0 : i32
    return %c0_i32, %c0_i32_0 : i32, i32
  }
  func.func @transform_3(%arg0: i32) -> i32 {
    %c0_i32 = arith.constant 0 : i32
    return %arg0 : i32
  }
}

</mosaic_0001>

<sc_bundles>
// kernel: kernel.4.cloned.1.call-start
scs
__scs_entry_jumppad:
0x0: {  	(pc) =	sbr.rel $0x88, $3  }
0x1: {  	(tag) =	ssettag $0x0;
	lr =	simm.s32 $0x1  }
0x2: {  	[smem:$0x3F9D] =	sst lr;
	_ =	strace $0xD0000000  }
0x3: {  	_ = 	snop  }
0x4: {  	_ = 	snop  }
0x5: {  	_ = 	snop  }
0x6: {  	_ = 	snop  }
0x7: {  	_ = 	snop  }
__scs_overlays_trampoline_lowered:
0x8: {  	[smem:$0x3FAC] =	sst s0  }
0x9: {  	[smem:$0x3FAD] =	sst s1  }
0xa: {  	[smem:$0x3FAE] =	sst s2  }
0xb: {  	[smem:$0x3FAF] =	sst s3  }
0xc: {  	[smem:$0x3FB0] =	sst s4  }
0xd: {  	[smem:$0x3FB1] =	sst s5  }
0xe: {  	[smem:$0x3FB2] =	sst s6  }
0xf: {  	[smem:$0x3FB3] =	sst s7  }
0x10: {  	[smem:$0x3FB4] =	sst s8  }
0x11: {  	[smem:$0x3FB5] =	sst s9;
	s0 =	simm.s32 @!p0 $0x0  }
0x12: {  	s1 =	sld [smem:$0x3F9B];
	s0 =	simm.s32 @p0 $0x1  }
0x13: {  	[smem:$0x3FB6] =	sst s0;
	s0 =	simm.s32 @!p1 $0x0  }
0x14: {  	s2 =	sld [smem:$0x3F9A];
	s0 =	simm.s32 @p1 $0x1  }
0x15: {  	[smem:$0x3FB7] =	sst s0;
	s0 =	simm.s32 @!p2 $0x0  }
0x16: {  	s3 =	sld [smem:$0x3FDB];
	s0 =	simm.s32 @p2 $0x1  }
0x17: {  	s4 =	simm.s32 $0x1BF5;
	[smem:$0x3FB9] =	sst s0  }
0x18: {  	s0 =	sld [smem:$0x3F9C];
	_ =	swait.ge [sflag:s4], $0x0  }
0x19: {  	s7 =	sld [smem:$0x3F9D]  }
0x1a: {  	s8 =	sadd.s32 $0xFFFFE003, lr  }
0x1b: {  	s9 =	sadd.s32 $0xFFFFFEF7, lr;
	s5 =	simm.s32 $0xFFFFFFFF;
	p2 =	slt.u32 s8, $0xFFFFF086  }
0x1c: {  	p1 =	slt.u32 s9, $0xF7A;
	s5 =	simm.s32 @!p2 $0x0  }
0x1d: {  	s5 =	simm.s32 @p1 $0x1;
	p0 =	seq.s32 s7, s2  }
0x1e: {  	s7 =	smul.u32 @!p0 $0xF7A, s2;
	p2 =	seq.s32 @!p0 s5, $0x0  }
0x1f: {  	s9 =	smul.u32 $0xF7A, s1;
	s8 =	simm.s32 @!p0 $0x1BF5;
	p2 =	por !p2, p0  }
0x20: {  	[sflag:s8] =	ssyncset.s32 @!p0 $0xFFFFF086;
	s6 =	sadd.s32 @!p0 s3, s7;
	s7 =	simm.s32 @!p0 $0x108  }
0x21: {  	s3 =	sadd.s32 s3, s9;
	s6 =	sadd.s32 @!p0 $0x88, s6;
	s7 =	simm.s32 @p2 $0x1082  }
0x22: {  	[simem:s7], [sflag:s8] =	dma.local @!p0 [hbm:s6], $0xF7A  }
0x23: {  	s9 =	sor.u32 $0xD0000000, s2;
	s6 =	simm.s32 $0x108;
	_ =	swait.ge @!p0 [sflag:s8], $0x0  }
0x24: {  	s3 =	sadd.s32 $0x88, s3;
	s6 =	simm.s32 @!p1 $0x1082;
	[sflag:s4] =	ssyncset.s32 $0xFFFFF086  }
0x25: {  	[simem:s6], [sflag:s4] =	dma.local [hbm:s3], $0xF7A  }
0x26: {  	[smem:$0x3F9D] =	sst s1;
	(tag) =	ssettag s2;
	_ =	strace s9  }
0x27: {  	s1 =	sld [smem:$0x3FAD]  }
0x28: {  	s2 =	sld [smem:$0x3FAE]  }
0x29: {  	s4 =	sld [smem:$0x3FB0]  }
0x2a: {  	p0 =	seq.s32 s5, $0x0;
	s5 =	sld [smem:$0x3FB1]  }
0x2b: {  	s6 =	sld [smem:$0x3FB2]  }
0x2c: {  	s7 =	sld [smem:$0x3FB3]  }
0x2d: {  	s3 =	simm.s32 $0x108;
	s8 =	sld [smem:$0x3FB4]  }
0x2e: {  	s3 =	simm.s32 @!p0 $0x1082;
	s9 =	sld [smem:$0x3FB5]  }
0x2f: {  	lr =	sadd.s32 s0, s3;
	s0 =	sld [smem:$0x3FAC]  }
0x30: {  	s3 =	sld [smem:$0x3FAF]  }
0x31: {  	[smem:$0x3FB8] =	sst s10  }
0x32: {  	s10 =	sld [smem:$0x3FB6];
	_ =	sdelay $0x3  }
0x33: {  	p0 =	seq.s32 s10, $0x1;
	s10 =	sld [smem:$0x3FB8];
	_ =	sdelay $0x3  }
0x34: {  	[smem:$0x3FB8] =	sst s10  }
0x35: {  	s10 =	sld [smem:$0x3FB7];
	_ =	sdelay $0x3  }
0x36: {  	p1 =	seq.s32 s10, $0x1;
	s10 =	sld [smem:$0x3FB8];
	_ =	sdelay $0x3  }
0x37: {  	[smem:$0x3FB8] =	sst s10  }
0x38: {  	s10 =	sld [smem:$0x3FB9]  }
0x39: {  	_ = 	snop;
	(pc) =	sbr.ind lr, $3  }
0x3a: {  	_ = 	snop  }
0x3b: {  	_ = 	snop  }
0x3c: {  	p2 =	seq.s32 s10, $0x1;
	s10 =	sld [smem:$0x3FB8]  }
0x3d: {  	_ =	shalt  }
0x3e: {  	_ =	shalt  }
0x3f: {  	_ =	shalt  }
0x40: {  	_ =	shalt  }
0x41: {  	_ =	shalt  }
0x42: {  	_ =	shalt  }
0x43: {  	_ =	shalt  }
0x44: {  	_ =	shalt  }
0x45: {  	_ =	shalt  }
0x46: {  	_ =	shalt  }
0x47: {  	_ =	shalt  }
0x48: {  	_ =	shalt  }
0x49: {  	_ =	shalt  }
0x4a: {  	_ =	shalt  }
0x4b: {  	_ =	shalt  }
0x4c: {  	_ =	shalt  }
0x4d: {  	_ =	shalt  }
0x4e: {  	_ =	shalt  }
0x4f: {  	_ =	shalt  }
0x50: {  	_ =	shalt  }
0x51: {  	_ =	shalt  }
0x52: {  	_ =	shalt  }
0x53: {  	_ =	shalt  }
0x54: {  	_ =	shalt  }
0x55: {  	_ =	shalt  }
0x56: {  	_ =	shalt  }
0x57: {  	_ =	shalt  }
0x58: {  	_ =	shalt  }
0x59: {  	_ =	shalt  }
0x5a: {  	_ =	shalt  }
0x5b: {  	_ =	shalt  }
0x5c: {  	_ =	shalt  }
0x5d: {  	_ =	shalt  }
0x5e: {  	_ =	shalt  }
0x5f: {  	_ =	shalt  }
0x60: {  	_ =	shalt  }
0x61: {  	_ =	shalt  }
0x62: {  	_ =	shalt  }
0x63: {  	_ =	shalt  }
0x64: {  	_ =	shalt  }
0x65: {  	_ =	shalt  }
0x66: {  	_ =	shalt  }
0x67: {  	_ =	shalt  }
0x68: {  	_ =	shalt  }
0x69: {  	_ =	shalt  }
0x6a: {  	_ =	shalt  }
0x6b: {  	_ =	shalt  }
0x6c: {  	_ =	shalt  }
0x6d: {  	_ =	shalt  }
0x6e: {  	_ =	shalt  }
0x6f: {  	_ =	shalt  }
0x70: {  	_ =	shalt  }
0x71: {  	_ =	shalt  }
0x72: {  	_ =	shalt  }
0x73: {  	_ =	shalt  }
0x74: {  	_ =	shalt  }
0x75: {  	_ =	shalt  }
0x76: {  	_ =	shalt  }
0x77: {  	_ =	shalt  }
0x78: {  	_ =	shalt  }
0x79: {  	_ =	shalt  }
0x7a: {  	_ =	shalt  }
0x7b: {  	_ =	shalt  }
0x7c: {  	_ =	shalt  }
0x7d: {  	_ =	shalt  }
0x7e: {  	_ =	shalt  }
0x7f: {  	_ =	shalt  }
0x80: {  	_ =	shalt  }
0x81: {  	_ =	shalt  }
0x82: {  	_ =	shalt  }
0x83: {  	_ =	shalt  }
0x84: {  	_ =	shalt  }
0x85: {  	_ =	shalt  }
0x86: {  	_ =	shalt  }
0x87: {  	_ =	shalt  }
.Lfunc_end0:
.L_simem_size_0:
called_computation_lowered:
.L_overlay_start_0:
0x88: {  	s2 =	sld [smem:$0x3FD9]  }
0x89: {  	s3 =	sld [smem:$0x3FFE];
	_ =	sdelay $0x1  }
0x8a: {  	s1 =	srdreg.scid  }
0x8b: {  	s0 =	sand.u32 $0x1, s1  }
0x8c: {  	s17 =	sshll.u32 s0, $0xA;
	s2 =	sadd.s32 s3, s2  }
0x8d: {  	s2 =	sadd.s32 s2, s17  }
0x8e: {  	[smem:$0x3FC4] =	sst s2  }
0x8f: {  	_ = 	snop  }
0x90: {  	s2 =	sld [smem:$0x3FC9]  }
0x91: {  	s18 =	sld [smem:$0x3FD0];
	(tm) =	ssettm $0x1  }
0x92: {  	s4 =	sld [smem:$0x3FFB];
	_ =	sdelay $0x3  }
0x93: {  	_ =	strace s4  }
0x94: {  	s4 =	sld [smem:$0x3FFC];
	_ =	sdelay $0x3  }
0x95: {  	_ =	strace s4  }
0x96: {  	s4 =	sld [smem:$0x3FFD];
	_ =	sdelay $0x3  }
0x97: {  	_ =	strace s4  }
0x98: {  	_ =	strace $0x8FFFFFFF  }
0x99: {  	s19 =	sld [smem:$0x3FDB];
	_ =	sdelay $0x1  }
0x9a: {  	s5 =	simm.s32 $_scs_section_size  }
0x9b: {  	s6 =	simm.s32 $_size__tile_overlayer_lowered;
	s7 =	simm.s32 $_tile_overlayer_lowered  }
0x9c: {  	s22 =	simm.s32 $0x1BFF;
	s21 =	sshll.u32 s7, $0x1;
	s4 =	sadd.s32 s5, s19  }
0x9d: {  	s8 =	simm.s32 $0x0;
	s20 =	sshll.u32 s6, $0x1;
	s6 =	sadd.s32 s21, s4  }
0x9e: {  	[timem:s8], [sflag:s22] =	dma.local [hbm:s6], s20  }
0x9f: {  	_ =	swait.ge [sflag:s22], s20  }
0xa0: {  	s5 =	ssub.s32 $0x0, s20;
	[sflag:s22] =	ssyncset.done $0x0  }
0xa1: {  	[sflag:s22] =	ssyncadd.s32 s5;
	_ =	sdelay $0x1  }
0xa2: {  	s23 =	simm.s32 $0x1B8B  }
0xa3: {  	_ =	swait.ge [sflag:s23], $0x1  }
0xa4: {  	[sflag:s23] =	ssyncset.done $0x0  }
0xa5: {  	s25 =	simm.s32 $0x1B8E;
	s24 =	sld [smem:$0x3FFE];
	[sflag:s23] =	ssyncadd.s32 $0xFFFFFFFF  }
0xa6: {  	s26 =	simm.s32 $execute0_lowered;
	[smem:$0x3FD2] =	sst s25  }
0xa7: {  	s6 =	sshll.u32 s26, $0x1;
	_ =	strace $0x80000046;
	[dreg:$0x1] =	wrdreg $0xFFFFFFFF  }
0xa8: {  	s28 =	simm.s32 $_size_execute0_lowered;
	s4 =	sadd.s32 s4, s6;
	[dreg:$0x0] =	wrdreg $0x0  }
0xa9: {  	s6 =	sshll.u32 s28, $0x1;
	[dreg:$0x2] =	wrdreg s4  }
0xaa: {  	[dreg:$0x3] =	wrdreg s6  }
0xab: {  	[dreg:$0x4] =	wrdreg $0xC0  }
0xac: {  	_ =	task [dreg:s8], $0x5FFFF  }
0xad: {  	[dreg:$0x1] =	wrdreg $0xFFFFFFFF  }
0xae: {  	[dreg:$0x0] =	wrdreg $0x60  }
0xaf: {  	[dreg:$0x2] =	wrdreg s24  }
0xb0: {  	[dreg:$0x3] =	wrdreg s2  }
0xb1: {  	[dreg:$0x4] =	wrdreg s18  }
0xb2: {  	[dreg:$0x5] =	wrdreg $0x9  }
0xb3: {  	_ =	task.clear_ibuf [dreg:s8], $0x6FFFF;
	_ =	strace $0x90000046  }
0xb4: {  	s29 =	simm.s32 $0x9;
	_ =	strace $0x80000048  }
0xb5: {  	_ =	swait.ge [sflag:s29], $0x1  }
0xb6: {  	[sflag:s29] =	ssyncadd.s32 $0xFFFFFFFF  }
0xb7: {  	_ =	strace $0x90000048  }
0xb8: {  	_ =	sfence  }
0xb9: {  	s30 =	sld [smem:$0x0];
	_ =	sdelay $0x2  }
0xba: {  	s31 =	sshll.u32 s1, $0xD;
	s1 =	sshrl.u32 s1, $0x2  }
0xbb: {  	s3 =	sand.u32 $0x4000, s31;
	s1 =	sadd.s32 s1, s30  }
0xbc: {  	s0 =	sor.u32 s3, s0;
	s1 =	sshll.u32 s1, $0x11  }
0xbd: {  	s0 =	sor.u32 s1, s0  }
0xbe: {  	s0 =	sadd.s32 $0x8F2B, s0  }
0xbf: {  	[sflag:s0] =	ssyncadd.remote.s32 $0x1  }
0xc0: {  	_ =	sfence.sel $0xFFFF  }
0xc1: {  	[dreg:$0x0] =	wrdreg $0xFFFFFFFF;
	(pc) =	sbr.abs _section_cstart, $3  }
0xc2: {  	[dreg:$0x1] =	wrdreg $0xFFFFFFFF  }
0xc3: {  	_ =	task.clear_ibuf [dreg:s8], $0x2FFFF;
	_ =	strace $0x9FFFFFFF  }
0xc4: {  	(tm) =	ssettm $0x7FFFFFFF  }
0xc5: {  	_ =	shalt  }
tec
execute0_lowered:
.L_overlay_start_1:
0x0: {  	(tag) =	ssettag $0x1  }
0x1: {  	s4 =	rddreg [dreg:$0x0]  }
0x2: {  	s3 =	rddreg [dreg:$0x1]  }
0x3: {  	s8 =	rddreg [dreg:$0x2];
	s2 =	srdreg.scid  }
0x4: {  	s0 =	rddreg [dreg:$0x3];
	s1 =	stileid.u32;
	s11 =	simm.s32 $0x20000  }
0x5: {  	s12 =	simm.s32 $0x6400;
	s13 =	simm.s32 $0xC800;
	s14 =	simm.s32 $0x2  }
0x6: {  	s15 =	simm.s32 $0x1;
	s16 =	simm.s32 $0x3;
	s17 =	simm.s32 $0x12C00  }
0x7: {  	s18 =	simm.s32 $0x4;
	s19 =	simm.s32 $0x0;
	s5 =	sand.u32 $0x1, s2  }
0x8: {  	s2 =	simm.s32 $0x0;
	s6 =	sshll.u32 s1, $0xA;
	s4 =	sadd.s32 $0xA00, s4  }
0x9: {  	s7 =	sshll.u32 s5, $0x9;
	[smem:$0x7FF] =	sst s2;
	s5 =	ssub.s32 $0x2, s5  }
0xa: {  	s9 =	sor.u32 s7, s6;
	_ =	strace $0x80000047;
	s31 =	sshrl.u32 s5, $0x1  }
0xb: {  	s3 =	sadd.s32 s3, s9;
	s10 =	ssub.s32 s5, s31;
	s9 =	sshrl.u32 s9, $0x3  }
0xc: {  	s5 =	sadd.s32 $0x80, s3;
	s6 =	sadd.s32 $0x100, s3;
	s7 =	sadd.s32 $0x180, s3  }
0xd: {  	s8 =	sadd.s32 s8, s9;
	s9 =	smax.u32 s10, $0x1;
	s10 =	simm.s32 $0x400  }
.LBB2_1:
0xe: {  	[tilespmem:s2], [sflag:$0x1] =	stream.linear.gather [hbm4b:s4+s2], $0x6400, $0x38;
	[tilespmem:$0x12E00] =	vst v63  }
0xf: {  	_ = 	snop  }
0x10: {  	[tilespmem:s12], [sflag:$0x2] =	stream.strided.gather [hbm4b:s3+s10], $0x6400, s11, s10, $0x38;
	[tilespmem:$0x12E00] =	vst v63  }
0x11: {  	_ = 	snop  }
0x12: {  	[tilespmem:s13], [sflag:$0x3] =	stream.strided.gather [hbm4b:s5+s10], $0x6400, s11, s10, $0x38;
	[tilespmem:$0x12E00] =	vst v63  }
0x13: {  	_ =	swait.ge [sflag:s14], $0x6400  }
0x14: {  	[sflag:s14] =	ssyncset.done $0x0  }
0x15: {  	[sflag:s14] =	ssyncadd.s32 $0xFFFF9C00  }
0x16: {  	_ =	swait.ge [sflag:s15], $0x6400  }
0x17: {  	[sflag:s15] =	ssyncset.done $0x0  }
0x18: {  	s20 =	simm.s32 $0x6680;
	s21 =	simm.s32 $0x0;
	[sflag:s15] =	ssyncadd.s32 $0xFFFF9C00  }
.LBB2_2:
0x19: {  	v0 =	vld [tilespmem:s20+$0xFFFFFD80]  }
0x1a: {  	v1 =	vld [tilespmem:s20+$0xFFFFFE00];
	_ =	sdelay $0x1  }
0x1b: {  	v2 =	vld [tilespmem:s20+$0xFFFFFE80];
	_ =	sdelay $0x1  }
0x1c: {  	v5 =	vld [tilespmem:s20+$0xFFFFFF80]  }
0x1d: {  	v3 =	vld [tilespmem:s20+$0xFFFFFF00]  }
0x1e: {  	v6 =	vld [tilespmem:s20+$0x0]  }
0x1f: {  	v4 =	vld.idx.msk [tilespmem:v0+s2+$0x0], $0xffff  }
0x20: {  	v7 =	vld.idx.msk [tilespmem:v1+s2+$0x0], $0xffff  }
0x21: {  	v0 =	vld [tilespmem:s20+$0x80]  }
0x22: {  	v8 =	vld.idx.msk [tilespmem:v2+s2+$0x0], $0xffff  }
0x23: {  	v2 =	vimm.f32 $0.0e+00;
	v1 =	vld [tilespmem:s20+$0x100]  }
0x24: {  	v5 =	vld.idx.msk [tilespmem:v5+s2+$0x0], $0xffff;
	v9 =	vadd.f32 v4, v2  }
0x25: {  	v4 =	vld.idx.msk [tilespmem:v3+s2+$0x0], $0xffff  }
0x26: {  	v2 =	vld [tilespmem:s20+$0x180];
	v7 =	vadd.f32 v7, v9  }
0x27: {  	v6 =	vld.idx.msk [tilespmem:v6+s2+$0x0], $0xffff  }
0x28: {  	s22 =	simm.s32 $0x0;
	s23 =	sadd.s32 $0x500, s20;
	v3 =	vld [tilespmem:s20+$0x200];
	v7 =	vadd.f32 v8, v7  }
.LBB2_3:
0x29: {  	v8 =	vld [tilespmem:s23+$0xFFFFFD80]  }
0x2a: {  	s22 =	sadd.s32 $0xA, s22;
	v4 =	vadd.f32 v4, v7;
	v0 =	vld.idx.msk [tilespmem:v0+s2+$0x0], $0xffff  }
0x2b: {  	p0 =	slt.u32 s22, $0xBE;
	v7 =	vld [tilespmem:s23+$0xFFFFFE00]  }
0x2c: {  	v4 =	vadd.f32 v5, v4;
	v1 =	vld.idx.msk [tilespmem:v1+s2+$0x0], $0xffff  }
0x2d: {  	v5 =	vld [tilespmem:s23+$0xFFFFFE80]  }
0x2e: {  	v4 =	vadd.f32 v6, v4;
	v2 =	vld.idx.msk [tilespmem:v2+s2+$0x0], $0xffff  }
0x2f: {  	v6 =	vld [tilespmem:s23+$0xFFFFFF00]  }
0x30: {  	v0 =	vadd.f32 v0, v4;
	v3 =	vld.idx.msk [tilespmem:v3+s2+$0x0], $0xffff  }
0x31: {  	v9 =	vld [tilespmem:s23+$0xFFFFFF80]  }
0x32: {  	v4 =	vld.idx.msk [tilespmem:v8+s2+$0x0], $0xffff;
	v0 =	vadd.f32 v1, v0  }
0x33: {  	v8 =	vld [tilespmem:s23+$0x0]  }
0x34: {  	v7 =	vld.idx.msk [tilespmem:v7+s2+$0x0], $0xffff;
	v1 =	vadd.f32 v2, v0  }
0x35: {  	v0 =	vld [tilespmem:s23+$0x80]  }
0x36: {  	v10 =	vld.idx.msk [tilespmem:v5+s2+$0x0], $0xffff;
	v2 =	vadd.f32 v3, v1  }
0x37: {  	v1 =	vld [tilespmem:s23+$0x100]  }
.Ltmp0:
0x38: {  	v3 =	vadd.f32 v4, v2;
	v4 =	vld.idx.msk [tilespmem:v6+s2+$0x0], $0xffff;
	(pc) =	sbr.rel @p0 .LBB2_3-.Ltmp0, $4  }
0x39: {  	v2 =	vld [tilespmem:s23+$0x180]  }
0x3a: {  	v6 =	vadd.f32 v7, v3;
	v5 =	vld.idx.msk [tilespmem:v9+s2+$0x0], $0xffff  }
0x3b: {  	v3 =	vld [tilespmem:s23+$0x200]  }
0x3c: {  	s23 =	sadd.s32 $0x500, s23;
	v7 =	vadd.f32 v10, v6;
	v6 =	vld.idx.msk [tilespmem:v8+s2+$0x0], $0xffff  }
0x3d: {  	_ =	sdelay $0x2  }
0x3e: {  	v4 =	vadd.f32 v4, v7  }
0x3f: {  	v0 =	vld.idx.msk [tilespmem:v0+s2+$0x0], $0xffff  }
0x40: {  	v4 =	vadd.f32 v5, v4  }
0x41: {  	v1 =	vld.idx.msk [tilespmem:v1+s2+$0x0], $0xffff  }
0x42: {  	v4 =	vadd.f32 v6, v4  }
0x43: {  	v2 =	vld.idx.msk [tilespmem:v2+s2+$0x0], $0xffff  }
0x44: {  	v0 =	vadd.f32 v0, v4  }
0x45: {  	v3 =	vld.idx.msk [tilespmem:v3+s2+$0x0], $0xffff  }
0x46: {  	s22 =	sshll.u32 s21, $0x4;
	s21 =	sadd.s32 $0x1, s21;
	v0 =	vadd.f32 v1, v0  }
0x47: {  	p0 =	sne.s32 s21, $0x8  }
.Ltmp1:
0x48: {  	v0 =	vadd.f32 v2, v0;
	(pc) =	sbr.rel @p0 .LBB2_2-.Ltmp1, $4  }
0x49: {  	_ = 	snop  }
0x4a: {  	v0 =	vadd.f32 v3, v0  }
0x4b: {  	s22 =	sand.u32 $0x3FFFFFF0, s22  }
0x4c: {  	s20 =	sadd.s32 $0x10, s20;
	[tilespmem:s22+$0x12C00] =	vst v0  }
0x4d: {  	[tilespmem:s12], [sflag:$0x2] =	stream.strided.gather [hbm4b:s6+s10], $0x6400, s11, s10, $0x38;
	[tilespmem:$0x12E00] =	vst v63  }
0x4e: {  	_ =	swait.ge [sflag:s16], $0x6400  }
0x4f: {  	[sflag:s16] =	ssyncset.done $0x0  }
0x50: {  	s20 =	simm.s32 $0x0;
	s21 =	simm.s32 $0xCC80;
	[sflag:s16] =	ssyncadd.s32 $0xFFFF9C00  }
.LBB2_6:
0x51: {  	v0 =	vld [tilespmem:s21+$0xFFFFFB80]  }
0x52: {  	v1 =	vld [tilespmem:s21+$0xFFFFFC00];
	_ =	sdelay $0x1  }
0x53: {  	v2 =	vld [tilespmem:s21+$0xFFFFFC80];
	_ =	sdelay $0x1  }
0x54: {  	v5 =	vld [tilespmem:s21+$0xFFFFFD80]  }
0x55: {  	v3 =	vld [tilespmem:s21+$0xFFFFFD00]  }
0x56: {  	v6 =	vld [tilespmem:s21+$0xFFFFFE00]  }
0x57: {  	v4 =	vld.idx.msk [tilespmem:v0+s2+$0x0], $0xffff  }
0x58: {  	v7 =	vld.idx.msk [tilespmem:v1+s2+$0x0], $0xffff  }
0x59: {  	v0 =	vld [tilespmem:s21+$0xFFFFFE80]  }
0x5a: {  	v8 =	vld.idx.msk [tilespmem:v2+s2+$0x0], $0xffff  }
0x5b: {  	v2 =	vimm.f32 $0.0e+00;
	v1 =	vld [tilespmem:s21+$0xFFFFFF00]  }
0x5c: {  	v5 =	vld.idx.msk [tilespmem:v5+s2+$0x0], $0xffff;
	v9 =	vadd.f32 v4, v2  }
0x5d: {  	v4 =	vld.idx.msk [tilespmem:v3+s2+$0x0], $0xffff  }
0x5e: {  	v2 =	vld [tilespmem:s21+$0xFFFFFF80];
	v7 =	vadd.f32 v7, v9  }
0x5f: {  	v6 =	vld.idx.msk [tilespmem:v6+s2+$0x0], $0xffff  }
0x60: {  	s22 =	simm.s32 $0x0;
	s23 =	sadd.s32 $0x500, s21;
	v3 =	vld [tilespmem:s21+$0x0];
	v7 =	vadd.f32 v8, v7  }
.LBB2_7:
0x61: {  	v8 =	vld [tilespmem:s23+$0xFFFFFB80]  }
0x62: {  	s22 =	sadd.s32 $0xA, s22;
	v4 =	vadd.f32 v4, v7;
	v0 =	vld.idx.msk [tilespmem:v0+s2+$0x0], $0xffff  }
0x63: {  	p0 =	slt.u32 s22, $0xBE;
	v7 =	vld [tilespmem:s23+$0xFFFFFC00]  }
0x64: {  	v4 =	vadd.f32 v5, v4;
	v1 =	vld.idx.msk [tilespmem:v1+s2+$0x0], $0xffff  }
0x65: {  	v5 =	vld [tilespmem:s23+$0xFFFFFC80]  }
0x66: {  	v4 =	vadd.f32 v6, v4;
	v2 =	vld.idx.msk [tilespmem:v2+s2+$0x0], $0xffff  }
0x67: {  	v6 =	vld [tilespmem:s23+$0xFFFFFD00]  }
0x68: {  	v0 =	vadd.f32 v0, v4;
	v3 =	vld.idx.msk [tilespmem:v3+s2+$0x0], $0xffff  }
0x69: {  	v9 =	vld [tilespmem:s23+$0xFFFFFD80]  }
0x6a: {  	v4 =	vld.idx.msk [tilespmem:v8+s2+$0x0], $0xffff;
	v0 =	vadd.f32 v1, v0  }
0x6b: {  	v8 =	vld [tilespmem:s23+$0xFFFFFE00]  }
0x6c: {  	v7 =	vld.idx.msk [tilespmem:v7+s2+$0x0], $0xffff;
	v1 =	vadd.f32 v2, v0  }
0x6d: {  	v0 =	vld [tilespmem:s23+$0xFFFFFE80]  }
0x6e: {  	v10 =	vld.idx.msk [tilespmem:v5+s2+$0x0], $0xffff;
	v2 =	vadd.f32 v3, v1  }
0x6f: {  	v1 =	vld [tilespmem:s23+$0xFFFFFF00]  }
.Ltmp2:
0x70: {  	v3 =	vadd.f32 v4, v2;
	v4 =	vld.idx.msk [tilespmem:v6+s2+$0x0], $0xffff;
	(pc) =	sbr.rel @p0 .LBB2_7-.Ltmp2, $4  }
0x71: {  	v2 =	vld [tilespmem:s23+$0xFFFFFF80]  }
0x72: {  	v6 =	vadd.f32 v7, v3;
	v5 =	vld.idx.msk [tilespmem:v9+s2+$0x0], $0xffff  }
0x73: {  	v3 =	vld [tilespmem:s23+$0x0]  }
0x74: {  	s23 =	sadd.s32 $0x500, s23;
	v7 =	vadd.f32 v10, v6;
	v6 =	vld.idx.msk [tilespmem:v8+s2+$0x0], $0xffff  }
0x75: {  	_ =	sdelay $0x2  }
0x76: {  	v4 =	vadd.f32 v4, v7  }
0x77: {  	v0 =	vld.idx.msk [tilespmem:v0+s2+$0x0], $0xffff  }
0x78: {  	v4 =	vadd.f32 v5, v4  }
0x79: {  	v1 =	vld.idx.msk [tilespmem:v1+s2+$0x0], $0xffff  }
0x7a: {  	v4 =	vadd.f32 v6, v4  }
0x7b: {  	v2 =	vld.idx.msk [tilespmem:v2+s2+$0x0], $0xffff  }
0x7c: {  	v0 =	vadd.f32 v0, v4  }
0x7d: {  	v3 =	vld.idx.msk [tilespmem:v3+s2+$0x0], $0xffff  }
0x7e: {  	s22 =	sshll.u32 s20, $0x4;
	s20 =	sadd.s32 $0x1, s20;
	v0 =	vadd.f32 v1, v0  }
0x7f: {  	p0 =	sne.s32 s20, $0x8  }
.Ltmp3:
0x80: {  	v0 =	vadd.f32 v2, v0;
	(pc) =	sbr.rel @p0 .LBB2_6-.Ltmp3, $4  }
0x81: {  	_ = 	snop  }
0x82: {  	v0 =	vadd.f32 v3, v0  }
0x83: {  	s22 =	sand.u32 $0x3FFFFFF0, s22  }
0x84: {  	s21 =	sadd.s32 $0x10, s21;
	[tilespmem:s22+$0x12C80] =	vst v0  }
0x85: {  	[tilespmem:s13], [sflag:$0x3] =	stream.strided.gather [hbm4b:s7+s10], $0x6400, s11, s10, $0x38;
	[tilespmem:$0x12E00] =	vst v63  }
0x86: {  	_ =	swait.ge [sflag:s14], $0x6400  }
0x87: {  	[sflag:s14] =	ssyncset.done $0x0  }
0x88: {  	s20 =	simm.s32 $0x0;
	s21 =	simm.s32 $0x6680;
	[sflag:s14] =	ssyncadd.s32 $0xFFFF9C00  }
.LBB2_10:
0x89: {  	v0 =	vld [tilespmem:s21+$0xFFFFFD80]  }
0x8a: {  	v1 =	vld [tilespmem:s21+$0xFFFFFE00];
	_ =	sdelay $0x1  }
0x8b: {  	v2 =	vld [tilespmem:s21+$0xFFFFFE80];
	_ =	sdelay $0x1  }
0x8c: {  	v5 =	vld [tilespmem:s21+$0xFFFFFF80]  }
0x8d: {  	v3 =	vld [tilespmem:s21+$0xFFFFFF00]  }
0x8e: {  	v6 =	vld [tilespmem:s21+$0x0]  }
0x8f: {  	v4 =	vld.idx.msk [tilespmem:v0+s2+$0x0], $0xffff  }
0x90: {  	v7 =	vld.idx.msk [tilespmem:v1+s2+$0x0], $0xffff  }
0x91: {  	v0 =	vld [tilespmem:s21+$0x80]  }
0x92: {  	v8 =	vld.idx.msk [tilespmem:v2+s2+$0x0], $0xffff  }
0x93: {  	v2 =	vimm.f32 $0.0e+00;
	v1 =	vld [tilespmem:s21+$0x100]  }
0x94: {  	v5 =	vld.idx.msk [tilespmem:v5+s2+$0x0], $0xffff;
	v9 =	vadd.f32 v4, v2  }
0x95: {  	v4 =	vld.idx.msk [tilespmem:v3+s2+$0x0], $0xffff  }
0x96: {  	v2 =	vld [tilespmem:s21+$0x180];
	v7 =	vadd.f32 v7, v9  }
0x97: {  	v6 =	vld.idx.msk [tilespmem:v6+s2+$0x0], $0xffff  }
0x98: {  	s22 =	simm.s32 $0x0;
	s23 =	sadd.s32 $0x500, s21;
	v3 =	vld [tilespmem:s21+$0x200];
	v7 =	vadd.f32 v8, v7  }
.LBB2_11:
0x99: {  	v8 =	vld [tilespmem:s23+$0xFFFFFD80]  }
0x9a: {  	s22 =	sadd.s32 $0xA, s22;
	v4 =	vadd.f32 v4, v7;
	v0 =	vld.idx.msk [tilespmem:v0+s2+$0x0], $0xffff  }
0x9b: {  	p0 =	slt.u32 s22, $0xBE;
	v7 =	vld [tilespmem:s23+$0xFFFFFE00]  }
0x9c: {  	v4 =	vadd.f32 v5, v4;
	v1 =	vld.idx.msk [tilespmem:v1+s2+$0x0], $0xffff  }
0x9d: {  	v5 =	vld [tilespmem:s23+$0xFFFFFE80]  }
0x9e: {  	v4 =	vadd.f32 v6, v4;
	v2 =	vld.idx.msk [tilespmem:v2+s2+$0x0], $0xffff  }
0x9f: {  	v6 =	vld [tilespmem:s23+$0xFFFFFF00]  }
0xa0: {  	v0 =	vadd.f32 v0, v4;
	v3 =	vld.idx.msk [tilespmem:v3+s2+$0x0], $0xffff  }
0xa1: {  	v9 =	vld [tilespmem:s23+$0xFFFFFF80]  }
0xa2: {  	v4 =	vld.idx.msk [tilespmem:v8+s2+$0x0], $0xffff;
	v0 =	vadd.f32 v1, v0  }
0xa3: {  	v8 =	vld [tilespmem:s23+$0x0]  }
0xa4: {  	v7 =	vld.idx.msk [tilespmem:v7+s2+$0x0], $0xffff;
	v1 =	vadd.f32 v2, v0  }
0xa5: {  	v0 =	vld [tilespmem:s23+$0x80]  }
0xa6: {  	v10 =	vld.idx.msk [tilespmem:v5+s2+$0x0], $0xffff;
	v2 =	vadd.f32 v3, v1  }
0xa7: {  	v1 =	vld [tilespmem:s23+$0x100]  }
.Ltmp4:
0xa8: {  	v3 =	vadd.f32 v4, v2;
	v4 =	vld.idx.msk [tilespmem:v6+s2+$0x0], $0xffff;
	(pc) =	sbr.rel @p0 .LBB2_11-.Ltmp4, $4  }
0xa9: {  	v2 =	vld [tilespmem:s23+$0x180]  }
0xaa: {  	v6 =	vadd.f32 v7, v3;
	v5 =	vld.idx.msk [tilespmem:v9+s2+$0x0], $0xffff  }
0xab: {  	v3 =	vld [tilespmem:s23+$0x200]  }
0xac: {  	s23 =	sadd.s32 $0x500, s23;
	v7 =	vadd.f32 v10, v6;
	v6 =	vld.idx.msk [tilespmem:v8+s2+$0x0], $0xffff  }
0xad: {  	_ =	sdelay $0x2  }
0xae: {  	v4 =	vadd.f32 v4, v7  }
0xaf: {  	v0 =	vld.idx.msk [tilespmem:v0+s2+$0x0], $0xffff  }
0xb0: {  	v4 =	vadd.f32 v5, v4  }
0xb1: {  	v1 =	vld.idx.msk [tilespmem:v1+s2+$0x0], $0xffff  }
0xb2: {  	v4 =	vadd.f32 v6, v4  }
0xb3: {  	v2 =	vld.idx.msk [tilespmem:v2+s2+$0x0], $0xffff  }
0xb4: {  	v0 =	vadd.f32 v0, v4  }
0xb5: {  	v3 =	vld.idx.msk [tilespmem:v3+s2+$0x0], $0xffff  }
0xb6: {  	s22 =	sshll.u32 s20, $0x4;
	s20 =	sadd.s32 $0x1, s20;
	v0 =	vadd.f32 v1, v0  }
0xb7: {  	p0 =	sne.s32 s20, $0x8  }
.Ltmp5:
0xb8: {  	v0 =	vadd.f32 v2, v0;
	(pc) =	sbr.rel @p0 .LBB2_10-.Ltmp5, $4  }
0xb9: {  	_ = 	snop  }
0xba: {  	v0 =	vadd.f32 v3, v0  }
0xbb: {  	s22 =	sand.u32 $0x3FFFFFF0, s22  }
0xbc: {  	s21 =	sadd.s32 $0x10, s21;
	[tilespmem:s22+$0x12D00] =	vst v0  }
0xbd: {  	_ =	swait.ge [sflag:s16], $0x6400  }
0xbe: {  	[sflag:s16] =	ssyncset.done $0x0  }
0xbf: {  	s20 =	simm.s32 $0x0;
	s21 =	simm.s32 $0xCC80;
	[sflag:s16] =	ssyncadd.s32 $0xFFFF9C00  }
.LBB2_14:
0xc0: {  	v0 =	vld [tilespmem:s21+$0xFFFFFB80]  }
0xc1: {  	v1 =	vld [tilespmem:s21+$0xFFFFFC00];
	_ =	sdelay $0x1  }
0xc2: {  	v2 =	vld [tilespmem:s21+$0xFFFFFC80];
	_ =	sdelay $0x1  }
0xc3: {  	v5 =	vld [tilespmem:s21+$0xFFFFFD80]  }
0xc4: {  	v3 =	vld [tilespmem:s21+$0xFFFFFD00]  }
0xc5: {  	v6 =	vld [tilespmem:s21+$0xFFFFFE00]  }
0xc6: {  	v4 =	vld.idx.msk [tilespmem:v0+s2+$0x0], $0xffff  }
0xc7: {  	v7 =	vld.idx.msk [tilespmem:v1+s2+$0x0], $0xffff  }
0xc8: {  	v0 =	vld [tilespmem:s21+$0xFFFFFE80]  }
0xc9: {  	v8 =	vld.idx.msk [tilespmem:v2+s2+$0x0], $0xffff  }
0xca: {  	v2 =	vimm.f32 $0.0e+00;
	v1 =	vld [tilespmem:s21+$0xFFFFFF00]  }
0xcb: {  	v5 =	vld.idx.msk [tilespmem:v5+s2+$0x0], $0xffff;
	v9 =	vadd.f32 v4, v2  }
0xcc: {  	v4 =	vld.idx.msk [tilespmem:v3+s2+$0x0], $0xffff  }
0xcd: {  	v2 =	vld [tilespmem:s21+$0xFFFFFF80];
	v7 =	vadd.f32 v7, v9  }
0xce: {  	v6 =	vld.idx.msk [tilespmem:v6+s2+$0x0], $0xffff  }
0xcf: {  	s22 =	simm.s32 $0x0;
	s23 =	sadd.s32 $0x500, s21;
	v3 =	vld [tilespmem:s21+$0x0];
	v7 =	vadd.f32 v8, v7  }
.LBB2_15:
0xd0: {  	v8 =	vld [tilespmem:s23+$0xFFFFFB80]  }
0xd1: {  	s22 =	sadd.s32 $0xA, s22;
	v4 =	vadd.f32 v4, v7;
	v0 =	vld.idx.msk [tilespmem:v0+s2+$0x0], $0xffff  }
0xd2: {  	p0 =	slt.u32 s22, $0xBE;
	v7 =	vld [tilespmem:s23+$0xFFFFFC00]  }
0xd3: {  	v4 =	vadd.f32 v5, v4;
	v1 =	vld.idx.msk [tilespmem:v1+s2+$0x0], $0xffff  }
0xd4: {  	v5 =	vld [tilespmem:s23+$0xFFFFFC80]  }
0xd5: {  	v4 =	vadd.f32 v6, v4;
	v2 =	vld.idx.msk [tilespmem:v2+s2+$0x0], $0xffff  }
0xd6: {  	v6 =	vld [tilespmem:s23+$0xFFFFFD00]  }
0xd7: {  	v0 =	vadd.f32 v0, v4;
	v3 =	vld.idx.msk [tilespmem:v3+s2+$0x0], $0xffff  }
0xd8: {  	v9 =	vld [tilespmem:s23+$0xFFFFFD80]  }
0xd9: {  	v4 =	vld.idx.msk [tilespmem:v8+s2+$0x0], $0xffff;
	v0 =	vadd.f32 v1, v0  }
0xda: {  	v8 =	vld [tilespmem:s23+$0xFFFFFE00]  }
0xdb: {  	v7 =	vld.idx.msk [tilespmem:v7+s2+$0x0], $0xffff;
	v1 =	vadd.f32 v2, v0  }
0xdc: {  	v0 =	vld [tilespmem:s23+$0xFFFFFE80]  }
0xdd: {  	v10 =	vld.idx.msk [tilespmem:v5+s2+$0x0], $0xffff;
	v2 =	vadd.f32 v3, v1  }
0xde: {  	v1 =	vld [tilespmem:s23+$0xFFFFFF00]  }
.Ltmp6:
0xdf: {  	v3 =	vadd.f32 v4, v2;
	v4 =	vld.idx.msk [tilespmem:v6+s2+$0x0], $0xffff;
	(pc) =	sbr.rel @p0 .LBB2_15-.Ltmp6, $4  }
0xe0: {  	v2 =	vld [tilespmem:s23+$0xFFFFFF80]  }
0xe1: {  	v6 =	vadd.f32 v7, v3;
	v5 =	vld.idx.msk [tilespmem:v9+s2+$0x0], $0xffff  }
0xe2: {  	v3 =	vld [tilespmem:s23+$0x0]  }
0xe3: {  	s23 =	sadd.s32 $0x500, s23;
	v7 =	vadd.f32 v10, v6;
	v6 =	vld.idx.msk [tilespmem:v8+s2+$0x0], $0xffff  }
0xe4: {  	_ =	sdelay $0x2  }
0xe5: {  	v4 =	vadd.f32 v4, v7  }
0xe6: {  	v0 =	vld.idx.msk [tilespmem:v0+s2+$0x0], $0xffff  }
0xe7: {  	v4 =	vadd.f32 v5, v4  }
0xe8: {  	v1 =	vld.idx.msk [tilespmem:v1+s2+$0x0], $0xffff  }
0xe9: {  	v4 =	vadd.f32 v6, v4  }
0xea: {  	v2 =	vld.idx.msk [tilespmem:v2+s2+$0x0], $0xffff  }
0xeb: {  	v0 =	vadd.f32 v0, v4  }
0xec: {  	v3 =	vld.idx.msk [tilespmem:v3+s2+$0x0], $0xffff  }
0xed: {  	s22 =	sshll.u32 s20, $0x4;
	s20 =	sadd.s32 $0x1, s20;
	v0 =	vadd.f32 v1, v0  }
0xee: {  	p0 =	sne.s32 s20, $0x8  }
.Ltmp7:
0xef: {  	v0 =	vadd.f32 v2, v0;
	(pc) =	sbr.rel @p0 .LBB2_14-.Ltmp7, $4  }
0xf0: {  	_ = 	snop  }
0xf1: {  	v0 =	vadd.f32 v3, v0  }
0xf2: {  	s22 =	sand.u32 $0x3FFFFFF0, s22  }
0xf3: {  	s21 =	sadd.s32 $0x10, s21;
	[tilespmem:s22+$0x12D80] =	vst v0  }
0xf4: {  	s19 =	sadd.s32 $0x1, s19  }
0xf5: {  	p0 =	sne.s32 s19, s9  }
.Ltmp8:
0xf6: {  	_ = 	snop;
	(pc) =	sbr.rel @p0 .LBB2_1-.Ltmp8, $4  }
0xf7: {  	[hbm4b:s8+s2] =	stream.linear.scatter [tilespmem:s17], [sflag:$0x4], $0x200, $0x38;
	[tilespmem:$0x12E00] =	vst v63  }
0xf8: {  	_ =	swait.ge [sflag:s18], $0x200  }
0xf9: {  	[sflag:s18] =	ssyncset.done $0x0  }
0xfa: {  	[sflag:s18] =	ssyncadd.s32 $0xFFFFFE00  }
0xfb: {  	_ =	sfence.sel $0x180000  }
0xfc: {  	[bflag:$0x0] =	sbarrier.arrive $0xFFFF  }
0xfd: {  	p0 =	sne.s32 s1, $0x0;
	_ =	strace $0x90000047  }
0xfe: {  	s0 =	sadd.s32 @!p0 $0x100000, s0;
	[bflag:$0x2] =	sbarrier.arrive $0xFFFF  }
0xff: {  	[sflag:s0] =	ssyncadd.tile.s32 @!p0 $0x1;
	_ =	shalt  }
.Lfunc_end2:
_tile_overlayer_lowered:
.L_overlay_start_2:
0x100: {  	(tag) =	ssettag $0x2  }
0x101: {  	s0 =	rddreg [dreg:$0x0];
	s2 =	stileid.u32  }
0x102: {  	s1 =	rddreg [dreg:$0x1];
	p0 =	sne.s32 s2, $0x0  }
0x103: {  	s3 =	rddreg [dreg:$0x2];
	[bflag:$0x3] =	sbarrier.arrive $0xFFFF;
	s2 =	simm.s32 @!p0 $0x1C04  }
0x104: {  	[timem:s3], [sflag:s2] =	dma.local @!p0 [hbm:s0], s1  }
0x105: {  	s0 =	simm.s32 @!p0 $0x4  }
0x106: {  	_ =	swait.ge @!p0 [sflag:s0], s1  }
0x107: {  	s1 =	ssub.s32 @!p0 $0x0, s1;
	[sflag:s0] =	ssyncset.done @!p0 $0x0  }
0x108: {  	[sflag:s0] =	ssyncadd.s32 @!p0 s1  }
0x109: {  	[bflag:$0x3] =	sbarrier.arrive $0xFFFF  }
0x10a: {  	_ =	shalt  }

</sc_bundles>
